<compile_context>
chip_gen: v7x
topology: tpu7x:2x2x1
jax: 0.10.2.dev20260603
libtpu: 0.0.44.dev20260713+nightly
codegen_flags: <defaults>
</compile_context>

<pallas_src>
import dataclasses
import functools

import jax
import jax.numpy as jnp
from jax import lax
from jax.experimental import pallas as pl
from jax.experimental.pallas import tpu as pltpu
from jax.experimental.pallas import tpu_sc as plsc

B = 16384
D = 32
NC = 2
NS = 16
NW = NC * NS
BPW = B // NW
L = 16
CH = 128


def _fm_body(user_hbm, item_hbm, ue_hbm, ie_hbm, ub_hbm, ib_hbm, gb_hbm,
             out_hbm,
             uidx_v, iidx_v, urows_v, irows_v, ubias_v, ibias_v, gb_v, out_v,
             sem_u, sem_i, sem_ub, sem_ib):
    c = lax.axis_index("c")
    s = lax.axis_index("s")
    wid = s * NC + c
    base = wid * BPW

    pltpu.sync_copy(user_hbm.at[pl.ds(base, BPW)], uidx_v)
    pltpu.sync_copy(item_hbm.at[pl.ds(base, BPW)], iidx_v)
    pltpu.sync_copy(gb_hbm, gb_v)

    copies = []
    for k in range(BPW // CH):
        sl = pl.ds(k * CH, CH)
        copies.append(pltpu.async_copy(
            ue_hbm.at[uidx_v.at[sl]], urows_v.at[sl], sem_u))
        copies.append(pltpu.async_copy(
            ie_hbm.at[iidx_v.at[sl]], irows_v.at[sl], sem_i))
        copies.append(pltpu.async_copy(
            ub_hbm.at[uidx_v.at[sl]], ubias_v.at[sl], sem_ub))
        copies.append(pltpu.async_copy(
            ib_hbm.at[iidx_v.at[sl]], ibias_v.at[sl], sem_ib))
    for cp in copies:
        cp.wait()

    lane = lax.iota(jnp.int32, L)
    gb = gb_v[...]

    @pl.loop(0, BPW, step=L)
    def _(r0):
        rows = lane + r0
        acc = jnp.zeros((L,), jnp.float32)
        for d in range(D):
            col = jnp.full((L,), d, jnp.int32)
            ud = plsc.load_gather(urows_v, [rows, col])
            vd = plsc.load_gather(irows_v, [rows, col])
            acc = acc + ud * vd
        sl = pl.ds(r0, L)
        out_v[sl] = acc + ubias_v[sl] + ibias_v[sl] + gb

    pltpu.sync_copy(out_v, out_hbm.at[pl.ds(base, BPW)])


@jax.jit
def _fm(user, item, user_embed, item_embed, user_bias, item_bias, global_bias):
    cp = pltpu.CompilerParams(use_tc_tiling_on_sc=False)
    if "needs_layout_passes" in pltpu.CompilerParams.__dataclass_fields__:
        cp = dataclasses.replace(cp, needs_layout_passes=False)
    run = pl.kernel(
        _fm_body,
        out_type=jax.ShapeDtypeStruct((B,), jnp.float32),
        mesh=plsc.VectorSubcoreMesh(core_axis_name="c", subcore_axis_name="s"),
        compiler_params=cp,
        scratch_types=[
            pltpu.VMEM((BPW,), jnp.int32),
            pltpu.VMEM((BPW,), jnp.int32),
            pltpu.VMEM((BPW, D), jnp.float32),
            pltpu.VMEM((BPW, D), jnp.float32),
            pltpu.VMEM((BPW,), jnp.float32),
            pltpu.VMEM((BPW,), jnp.float32),
            pltpu.VMEM((L,), jnp.float32),
            pltpu.VMEM((BPW,), jnp.float32),
            pltpu.SemaphoreType.DMA,
            pltpu.SemaphoreType.DMA,
            pltpu.SemaphoreType.DMA,
            pltpu.SemaphoreType.DMA,
        ],
    )
    return run(user, item, user_embed, item_embed, user_bias, item_bias,
               global_bias)


def kernel(user, item, user_embed, item_embed, user_bias, item_bias,
           global_bias):
    return _fm(user.astype(jnp.int32), item.astype(jnp.int32),
               user_embed, item_embed,
               user_bias.reshape(-1), item_bias.reshape(-1),
               jnp.broadcast_to(global_bias, (L,)))

# --- scband reference (transcript-rebuilt; emitter-appended) ---
"""Pipeline reference for scband-hybrid-fm-70660801954603 (READ-ONLY COPY).

The authoritative reference and input builder live on the scoring server;
editing this copy changes nothing except your own understanding.
"""

import jax, jax.numpy as jnp
import numpy as np

NUM_USERS = 1000000
NUM_ITEMS = 100000
EMBED_DIM = 32
BATCH = 16384


def setup_inputs(seed: int = 0) -> dict:
    key = jax.random.key(seed)
    k_user, k_item, k_ue, k_ie, k_ub, k_ib = jax.random.split(key, 6)
    user = jax.random.randint(k_user, (BATCH,), 0, NUM_USERS, dtype=jnp.int64 if jax.config.jax_enable_x64 else jnp.int32)
    item = jax.random.randint(k_item, (BATCH,), 0, NUM_ITEMS, dtype=jnp.int64 if jax.config.jax_enable_x64 else jnp.int32)
    user_embed = jax.random.normal(k_ue, (NUM_USERS, EMBED_DIM), dtype=jnp.float32) * 0.02
    item_embed = jax.random.normal(k_ie, (NUM_ITEMS, EMBED_DIM), dtype=jnp.float32) * 0.02
    user_bias = jax.random.normal(k_ub, (NUM_USERS, 1), dtype=jnp.float32) * 0.01
    item_bias = jax.random.normal(k_ib, (NUM_ITEMS, 1), dtype=jnp.float32) * 0.01
    global_bias = jnp.zeros((1,), dtype=jnp.float32)
    return {
        'user': user,
        'item': item,
        'user_embed': user_embed,
        'item_embed': item_embed,
        'user_bias': user_bias,
        'item_bias': item_bias,
        'global_bias': global_bias,
    }


def reference(user, item, user_embed, item_embed, user_bias, item_bias, global_bias):
    # user_vec = self.user_embed(user); item_vec = self.item_embed(item)
    user_vec = jnp.take(user_embed, user, axis=0)          # [B, D]
    item_vec = jnp.take(item_embed, item, axis=0)          # [B, D] (frozen table)
    dot = jnp.sum(user_vec * item_vec, axis=1)             # [B]
    ub = jnp.take(user_bias, user, axis=0).squeeze(-1)     # [B]
    ib = jnp.take(item_bias, item, axis=0).squeeze(-1)     # [B]
    pred = dot + ub + ib + global_bias                     # broadcast [1] -> [B]
    return pred

if __name__ == "__main__":
    import jax
    _d = setup_inputs()
    print(jax.jit(kernel)(*tuple(_d.values())))

</pallas_src>

<mosaic_0001>
#map = affine_map<(d0, d1) -> (0)>
#map1 = affine_map<(d0, d1) -> (0, 0)>
module attributes {stable_mosaic.version = 14 : i64} {
  func.func @_fm_body(%arg0: i32, %arg1: i32, %arg2: memref<16384xi32, #tpu.memory_space<hbm>>, %arg3: memref<16384xi32, #tpu.memory_space<hbm>>, %arg4: memref<1000000x32xf32, #tpu.memory_space<hbm>>, %arg5: memref<100000x32xf32, #tpu.memory_space<hbm>>, %arg6: memref<1000000xf32, #tpu.memory_space<hbm>>, %arg7: memref<100000xf32, #tpu.memory_space<hbm>>, %arg8: memref<16xf32, #tpu.memory_space<hbm>>, %arg9: memref<16384xf32, #tpu.memory_space<hbm>>, %arg10: memref<512xi32, #tpu.memory_space<vmem>>, %arg11: memref<512xi32, #tpu.memory_space<vmem>>, %arg12: memref<512x32xf32, #tpu.memory_space<vmem>>, %arg13: memref<512x32xf32, #tpu.memory_space<vmem>>, %arg14: memref<512xf32, #tpu.memory_space<vmem>>, %arg15: memref<512xf32, #tpu.memory_space<vmem>>, %arg16: memref<16xf32, #tpu.memory_space<vmem>>, %arg17: memref<512xf32, #tpu.memory_space<vmem>>, %arg18: memref<!tpu.dma_semaphore, #tpu.memory_space<semaphore_mem>>, %arg19: memref<!tpu.dma_semaphore, #tpu.memory_space<semaphore_mem>>, %arg20: memref<!tpu.dma_semaphore, #tpu.memory_space<semaphore_mem>>, %arg21: memref<!tpu.dma_semaphore, #tpu.memory_space<semaphore_mem>>) attributes {dimension_semantics = [#tpu.dimension_semantics<core_parallel>, #tpu.dimension_semantics<subcore_parallel>], iteration_bounds = array<i64: 2, 16>, scalar_prefetch = 0 : i64, scratch_operands = 12 : i64, tpu.core_type = #tpu.core_type<sc_vector_subcore>, window_params = [{transform_indices = #map}, {transform_indices = #map}, {transform_indices = #map1}, {transform_indices = #map1}, {transform_indices = #map}, {transform_indices = #map}, {transform_indices = #map}, {transform_indices = #map}]} {
    %mul3A = arith.constant 2 : i32
    %mul3A_0 = arith.muli %arg1, %mul3A : i32
    %add3A = arith.addi %mul3A_0, %arg0 : i32
    %mul3A_1 = arith.constant 512 : i32
    %mul3A_2 = arith.muli %add3A, %mul3A_1 : i32
    "tpu.region"() ({
      %run_scoped3A = tpu.sem_alloc : memref<!tpu.dma_semaphore, #tpu.memory_space<semaphore_mem>>
      %dma_start3A_230 = tpu.memref_slice %arg2[%mul3A_2] : memref<16384xi32, #tpu.memory_space<hbm>> -> memref<512xi32, #tpu.memory_space<hbm>>
      %dma_start3A_231 = tpu.memref_slice %arg2[%mul3A_2] : memref<16384xi32, #tpu.memory_space<hbm>> -> memref<512xi32, #tpu.memory_space<hbm>>
      tpu.enqueue_dma source(%dma_start3A_231 : memref<512xi32, #tpu.memory_space<hbm>>) target(%arg10 : memref<512xi32, #tpu.memory_space<vmem>>) target_semaphore(%run_scoped3A : memref<!tpu.dma_semaphore, #tpu.memory_space<semaphore_mem>>)
      %dma_wait3A_232 = tpu.memref_slice %arg2[%mul3A_2] : memref<16384xi32, #tpu.memory_space<hbm>> -> memref<512xi32, #tpu.memory_space<hbm>>
      %dma_wait3A_233 = tpu.memref_slice %arg2[%mul3A_2] : memref<16384xi32, #tpu.memory_space<hbm>> -> memref<512xi32, #tpu.memory_space<hbm>>
      tpu.wait_dma2 semaphore(%run_scoped3A : memref<!tpu.dma_semaphore, #tpu.memory_space<semaphore_mem>>) src(%dma_wait3A_233 : memref<512xi32, #tpu.memory_space<hbm>>) dst(%arg10 : memref<512xi32, #tpu.memory_space<vmem>>)
      tpu.yield
    }) : () -> ()
    "tpu.region"() ({
      %run_scoped3A = tpu.sem_alloc : memref<!tpu.dma_semaphore, #tpu.memory_space<semaphore_mem>>
      %dma_start3A_230 = tpu.memref_slice %arg3[%mul3A_2] : memref<16384xi32, #tpu.memory_space<hbm>> -> memref<512xi32, #tpu.memory_space<hbm>>
      %dma_start3A_231 = tpu.memref_slice %arg3[%mul3A_2] : memref<16384xi32, #tpu.memory_space<hbm>> -> memref<512xi32, #tpu.memory_space<hbm>>
      tpu.enqueue_dma source(%dma_start3A_231 : memref<512xi32, #tpu.memory_space<hbm>>) target(%arg11 : memref<512xi32, #tpu.memory_space<vmem>>) target_semaphore(%run_scoped3A : memref<!tpu.dma_semaphore, #tpu.memory_space<semaphore_mem>>)
      %dma_wait3A_232 = tpu.memref_slice %arg3[%mul3A_2] : memref<16384xi32, #tpu.memory_space<hbm>> -> memref<512xi32, #tpu.memory_space<hbm>>
      %dma_wait3A_233 = tpu.memref_slice %arg3[%mul3A_2] : memref<16384xi32, #tpu.memory_space<hbm>> -> memref<512xi32, #tpu.memory_space<hbm>>
      tpu.wait_dma2 semaphore(%run_scoped3A : memref<!tpu.dma_semaphore, #tpu.memory_space<semaphore_mem>>) src(%dma_wait3A_233 : memref<512xi32, #tpu.memory_space<hbm>>) dst(%arg11 : memref<512xi32, #tpu.memory_space<vmem>>)
      tpu.yield
    }) : () -> ()
    "tpu.region"() ({
      %run_scoped3A = tpu.sem_alloc : memref<!tpu.dma_semaphore, #tpu.memory_space<semaphore_mem>>
      tpu.enqueue_dma source(%arg8 : memref<16xf32, #tpu.memory_space<hbm>>) target(%arg16 : memref<16xf32, #tpu.memory_space<vmem>>) target_semaphore(%run_scoped3A : memref<!tpu.dma_semaphore, #tpu.memory_space<semaphore_mem>>)
      tpu.wait_dma2 semaphore(%run_scoped3A : memref<!tpu.dma_semaphore, #tpu.memory_space<semaphore_mem>>) src(%arg8 : memref<16xf32, #tpu.memory_space<hbm>>) dst(%arg16 : memref<16xf32, #tpu.memory_space<vmem>>)
      tpu.yield
    }) : () -> ()
    %dma_start3A = arith.constant 0 : i32
    %dma_start3A_3 = arith.constant 0 : i32
    %dma_start3A_4 = tpu.memref_slice %arg12[%dma_start3A, %dma_start3A_3] : memref<512x32xf32, #tpu.memory_space<vmem>> -> memref<128x32xf32, #tpu.memory_space<vmem>>
    %dma_start3A_5 = arith.constant 0 : i32
    %dma_start3A_6 = tpu.memref_slice %arg10[%dma_start3A_5] : memref<512xi32, #tpu.memory_space<vmem>> -> memref<128xi32, #tpu.memory_space<vmem>>
    %dma_start3A_7 = arith.constant 0 : i32
    %dma_start3A_8 = arith.constant 0 : i32
    %dma_start3A_9 = tpu.memref_slice %arg4[%dma_start3A_7, %dma_start3A_8] : memref<1000000x32xf32, #tpu.memory_space<hbm>> -> memref<1000000x32xf32, #tpu.memory_space<hbm>>
    tpu.enqueue_indirect_dma source(%dma_start3A_9 : memref<1000000x32xf32, #tpu.memory_space<hbm>>) target(%dma_start3A_4 : memref<128x32xf32, #tpu.memory_space<vmem>>) offsets(%dma_start3A_6 : memref<128xi32, #tpu.memory_space<vmem>>) semaphore(%arg18 : memref<!tpu.dma_semaphore, #tpu.memory_space<semaphore_mem>>)
    %dma_start3A_10 = arith.constant 0 : i32
    %dma_start3A_11 = arith.constant 0 : i32
    %dma_start3A_12 = tpu.memref_slice %arg13[%dma_start3A_10, %dma_start3A_11] : memref<512x32xf32, #tpu.memory_space<vmem>> -> memref<128x32xf32, #tpu.memory_space<vmem>>
    %dma_start3A_13 = arith.constant 0 : i32
    %dma_start3A_14 = tpu.memref_slice %arg11[%dma_start3A_13] : memref<512xi32, #tpu.memory_space<vmem>> -> memref<128xi32, #tpu.memory_space<vmem>>
    %dma_start3A_15 = arith.constant 0 : i32
    %dma_start3A_16 = arith.constant 0 : i32
    %dma_start3A_17 = tpu.memref_slice %arg5[%dma_start3A_15, %dma_start3A_16] : memref<100000x32xf32, #tpu.memory_space<hbm>> -> memref<100000x32xf32, #tpu.memory_space<hbm>>
    tpu.enqueue_indirect_dma source(%dma_start3A_17 : memref<100000x32xf32, #tpu.memory_space<hbm>>) target(%dma_start3A_12 : memref<128x32xf32, #tpu.memory_space<vmem>>) offsets(%dma_start3A_14 : memref<128xi32, #tpu.memory_space<vmem>>) semaphore(%arg19 : memref<!tpu.dma_semaphore, #tpu.memory_space<semaphore_mem>>)
    %dma_start3A_18 = arith.constant 0 : i32
    %dma_start3A_19 = tpu.memref_slice %arg14[%dma_start3A_18] : memref<512xf32, #tpu.memory_space<vmem>> -> memref<128xf32, #tpu.memory_space<vmem>>
    %dma_start3A_20 = arith.constant 0 : i32
    %dma_start3A_21 = tpu.memref_slice %arg10[%dma_start3A_20] : memref<512xi32, #tpu.memory_space<vmem>> -> memref<128xi32, #tpu.memory_space<vmem>>
    %dma_start3A_22 = arith.constant 0 : i32
    %dma_start3A_23 = tpu.memref_slice %arg6[%dma_start3A_22] : memref<1000000xf32, #tpu.memory_space<hbm>> -> memref<1000000xf32, #tpu.memory_space<hbm>>
    tpu.enqueue_indirect_dma source(%dma_start3A_23 : memref<1000000xf32, #tpu.memory_space<hbm>>) target(%dma_start3A_19 : memref<128xf32, #tpu.memory_space<vmem>>) offsets(%dma_start3A_21 : memref<128xi32, #tpu.memory_space<vmem>>) semaphore(%arg20 : memref<!tpu.dma_semaphore, #tpu.memory_space<semaphore_mem>>)
    %dma_start3A_24 = arith.constant 0 : i32
    %dma_start3A_25 = tpu.memref_slice %arg15[%dma_start3A_24] : memref<512xf32, #tpu.memory_space<vmem>> -> memref<128xf32, #tpu.memory_space<vmem>>
    %dma_start3A_26 = arith.constant 0 : i32
    %dma_start3A_27 = tpu.memref_slice %arg11[%dma_start3A_26] : memref<512xi32, #tpu.memory_space<vmem>> -> memref<128xi32, #tpu.memory_space<vmem>>
    %dma_start3A_28 = arith.constant 0 : i32
    %dma_start3A_29 = tpu.memref_slice %arg7[%dma_start3A_28] : memref<100000xf32, #tpu.memory_space<hbm>> -> memref<100000xf32, #tpu.memory_space<hbm>>
    tpu.enqueue_indirect_dma source(%dma_start3A_29 : memref<100000xf32, #tpu.memory_space<hbm>>) target(%dma_start3A_25 : memref<128xf32, #tpu.memory_space<vmem>>) offsets(%dma_start3A_27 : memref<128xi32, #tpu.memory_space<vmem>>) semaphore(%arg21 : memref<!tpu.dma_semaphore, #tpu.memory_space<semaphore_mem>>)
    %dma_start3A_30 = arith.constant 128 : i32
    %dma_start3A_31 = arith.constant 0 : i32
    %dma_start3A_32 = tpu.memref_slice %arg12[%dma_start3A_30, %dma_start3A_31] : memref<512x32xf32, #tpu.memory_space<vmem>> -> memref<128x32xf32, #tpu.memory_space<vmem>>
    %dma_start3A_33 = arith.constant 128 : i32
    %dma_start3A_34 = tpu.memref_slice %arg10[%dma_start3A_33] : memref<512xi32, #tpu.memory_space<vmem>> -> memref<128xi32, #tpu.memory_space<vmem>>
    %dma_start3A_35 = arith.constant 0 : i32
    %dma_start3A_36 = arith.constant 0 : i32
    %dma_start3A_37 = tpu.memref_slice %arg4[%dma_start3A_35, %dma_start3A_36] : memref<1000000x32xf32, #tpu.memory_space<hbm>> -> memref<1000000x32xf32, #tpu.memory_space<hbm>>
    tpu.enqueue_indirect_dma source(%dma_start3A_37 : memref<1000000x32xf32, #tpu.memory_space<hbm>>) target(%dma_start3A_32 : memref<128x32xf32, #tpu.memory_space<vmem>>) offsets(%dma_start3A_34 : memref<128xi32, #tpu.memory_space<vmem>>) semaphore(%arg18 : memref<!tpu.dma_semaphore, #tpu.memory_space<semaphore_mem>>)
    %dma_start3A_38 = arith.constant 128 : i32
    %dma_start3A_39 = arith.constant 0 : i32
    %dma_start3A_40 = tpu.memref_slice %arg13[%dma_start3A_38, %dma_start3A_39] : memref<512x32xf32, #tpu.memory_space<vmem>> -> memref<128x32xf32, #tpu.memory_space<vmem>>
    %dma_start3A_41 = arith.constant 128 : i32
    %dma_start3A_42 = tpu.memref_slice %arg11[%dma_start3A_41] : memref<512xi32, #tpu.memory_space<vmem>> -> memref<128xi32, #tpu.memory_space<vmem>>
    %dma_start3A_43 = arith.constant 0 : i32
    %dma_start3A_44 = arith.constant 0 : i32
    %dma_start3A_45 = tpu.memref_slice %arg5[%dma_start3A_43, %dma_start3A_44] : memref<100000x32xf32, #tpu.memory_space<hbm>> -> memref<100000x32xf32, #tpu.memory_space<hbm>>
    tpu.enqueue_indirect_dma source(%dma_start3A_45 : memref<100000x32xf32, #tpu.memory_space<hbm>>) target(%dma_start3A_40 : memref<128x32xf32, #tpu.memory_space<vmem>>) offsets(%dma_start3A_42 : memref<128xi32, #tpu.memory_space<vmem>>) semaphore(%arg19 : memref<!tpu.dma_semaphore, #tpu.memory_space<semaphore_mem>>)
    %dma_start3A_46 = arith.constant 128 : i32
    %dma_start3A_47 = tpu.memref_slice %arg14[%dma_start3A_46] : memref<512xf32, #tpu.memory_space<vmem>> -> memref<128xf32, #tpu.memory_space<vmem>>
    %dma_start3A_48 = arith.constant 128 : i32
    %dma_start3A_49 = tpu.memref_slice %arg10[%dma_start3A_48] : memref<512xi32, #tpu.memory_space<vmem>> -> memref<128xi32, #tpu.memory_space<vmem>>
    %dma_start3A_50 = arith.constant 0 : i32
    %dma_start3A_51 = tpu.memref_slice %arg6[%dma_start3A_50] : memref<1000000xf32, #tpu.memory_space<hbm>> -> memref<1000000xf32, #tpu.memory_space<hbm>>
    tpu.enqueue_indirect_dma source(%dma_start3A_51 : memref<1000000xf32, #tpu.memory_space<hbm>>) target(%dma_start3A_47 : memref<128xf32, #tpu.memory_space<vmem>>) offsets(%dma_start3A_49 : memref<128xi32, #tpu.memory_space<vmem>>) semaphore(%arg20 : memref<!tpu.dma_semaphore, #tpu.memory_space<semaphore_mem>>)
    %dma_start3A_52 = arith.constant 128 : i32
    %dma_start3A_53 = tpu.memref_slice %arg15[%dma_start3A_52] : memref<512xf32, #tpu.memory_space<vmem>> -> memref<128xf32, #tpu.memory_space<vmem>>
    %dma_start3A_54 = arith.constant 128 : i32
    %dma_start3A_55 = tpu.memref_slice %arg11[%dma_start3A_54] : memref<512xi32, #tpu.memory_space<vmem>> -> memref<128xi32, #tpu.memory_space<vmem>>
    %dma_start3A_56 = arith.constant 0 : i32
    %dma_start3A_57 = tpu.memref_slice %arg7[%dma_start3A_56] : memref<100000xf32, #tpu.memory_space<hbm>> -> memref<100000xf32, #tpu.memory_space<hbm>>
    tpu.enqueue_indirect_dma source(%dma_start3A_57 : memref<100000xf32, #tpu.memory_space<hbm>>) target(%dma_start3A_53 : memref<128xf32, #tpu.memory_space<vmem>>) offsets(%dma_start3A_55 : memref<128xi32, #tpu.memory_space<vmem>>) semaphore(%arg21 : memref<!tpu.dma_semaphore, #tpu.memory_space<semaphore_mem>>)
    %dma_start3A_58 = arith.constant 256 : i32
    %dma_start3A_59 = arith.constant 0 : i32
    %dma_start3A_60 = tpu.memref_slice %arg12[%dma_start3A_58, %dma_start3A_59] : memref<512x32xf32, #tpu.memory_space<vmem>> -> memref<128x32xf32, #tpu.memory_space<vmem>>
    %dma_start3A_61 = arith.constant 256 : i32
    %dma_start3A_62 = tpu.memref_slice %arg10[%dma_start3A_61] : memref<512xi32, #tpu.memory_space<vmem>> -> memref<128xi32, #tpu.memory_space<vmem>>
    %dma_start3A_63 = arith.constant 0 : i32
    %dma_start3A_64 = arith.constant 0 : i32
    %dma_start3A_65 = tpu.memref_slice %arg4[%dma_start3A_63, %dma_start3A_64] : memref<1000000x32xf32, #tpu.memory_space<hbm>> -> memref<1000000x32xf32, #tpu.memory_space<hbm>>
    tpu.enqueue_indirect_dma source(%dma_start3A_65 : memref<1000000x32xf32, #tpu.memory_space<hbm>>) target(%dma_start3A_60 : memref<128x32xf32, #tpu.memory_space<vmem>>) offsets(%dma_start3A_62 : memref<128xi32, #tpu.memory_space<vmem>>) semaphore(%arg18 : memref<!tpu.dma_semaphore, #tpu.memory_space<semaphore_mem>>)
    %dma_start3A_66 = arith.constant 256 : i32
    %dma_start3A_67 = arith.constant 0 : i32
    %dma_start3A_68 = tpu.memref_slice %arg13[%dma_start3A_66, %dma_start3A_67] : memref<512x32xf32, #tpu.memory_space<vmem>> -> memref<128x32xf32, #tpu.memory_space<vmem>>
    %dma_start3A_69 = arith.constant 256 : i32
    %dma_start3A_70 = tpu.memref_slice %arg11[%dma_start3A_69] : memref<512xi32, #tpu.memory_space<vmem>> -> memref<128xi32, #tpu.memory_space<vmem>>
    %dma_start3A_71 = arith.constant 0 : i32
    %dma_start3A_72 = arith.constant 0 : i32
    %dma_start3A_73 = tpu.memref_slice %arg5[%dma_start3A_71, %dma_start3A_72] : memref<100000x32xf32, #tpu.memory_space<hbm>> -> memref<100000x32xf32, #tpu.memory_space<hbm>>
    tpu.enqueue_indirect_dma source(%dma_start3A_73 : memref<100000x32xf32, #tpu.memory_space<hbm>>) target(%dma_start3A_68 : memref<128x32xf32, #tpu.memory_space<vmem>>) offsets(%dma_start3A_70 : memref<128xi32, #tpu.memory_space<vmem>>) semaphore(%arg19 : memref<!tpu.dma_semaphore, #tpu.memory_space<semaphore_mem>>)
    %dma_start3A_74 = arith.constant 256 : i32
    %dma_start3A_75 = tpu.memref_slice %arg14[%dma_start3A_74] : memref<512xf32, #tpu.memory_space<vmem>> -> memref<128xf32, #tpu.memory_space<vmem>>
    %dma_start3A_76 = arith.constant 256 : i32
    %dma_start3A_77 = tpu.memref_slice %arg10[%dma_start3A_76] : memref<512xi32, #tpu.memory_space<vmem>> -> memref<128xi32, #tpu.memory_space<vmem>>
    %dma_start3A_78 = arith.constant 0 : i32
    %dma_start3A_79 = tpu.memref_slice %arg6[%dma_start3A_78] : memref<1000000xf32, #tpu.memory_space<hbm>> -> memref<1000000xf32, #tpu.memory_space<hbm>>
    tpu.enqueue_indirect_dma source(%dma_start3A_79 : memref<1000000xf32, #tpu.memory_space<hbm>>) target(%dma_start3A_75 : memref<128xf32, #tpu.memory_space<vmem>>) offsets(%dma_start3A_77 : memref<128xi32, #tpu.memory_space<vmem>>) semaphore(%arg20 : memref<!tpu.dma_semaphore, #tpu.memory_space<semaphore_mem>>)
    %dma_start3A_80 = arith.constant 256 : i32
    %dma_start3A_81 = tpu.memref_slice %arg15[%dma_start3A_80] : memref<512xf32, #tpu.memory_space<vmem>> -> memref<128xf32, #tpu.memory_space<vmem>>
    %dma_start3A_82 = arith.constant 256 : i32
    %dma_start3A_83 = tpu.memref_slice %arg11[%dma_start3A_82] : memref<512xi32, #tpu.memory_space<vmem>> -> memref<128xi32, #tpu.memory_space<vmem>>
    %dma_start3A_84 = arith.constant 0 : i32
    %dma_start3A_85 = tpu.memref_slice %arg7[%dma_start3A_84] : memref<100000xf32, #tpu.memory_space<hbm>> -> memref<100000xf32, #tpu.memory_space<hbm>>
    tpu.enqueue_indirect_dma source(%dma_start3A_85 : memref<100000xf32, #tpu.memory_space<hbm>>) target(%dma_start3A_81 : memref<128xf32, #tpu.memory_space<vmem>>) offsets(%dma_start3A_83 : memref<128xi32, #tpu.memory_space<vmem>>) semaphore(%arg21 : memref<!tpu.dma_semaphore, #tpu.memory_space<semaphore_mem>>)
    %dma_start3A_86 = arith.constant 384 : i32
    %dma_start3A_87 = arith.constant 0 : i32
    %dma_start3A_88 = tpu.memref_slice %arg12[%dma_start3A_86, %dma_start3A_87] : memref<512x32xf32, #tpu.memory_space<vmem>> -> memref<128x32xf32, #tpu.memory_space<vmem>>
    %dma_start3A_89 = arith.constant 384 : i32
    %dma_start3A_90 = tpu.memref_slice %arg10[%dma_start3A_89] : memref<512xi32, #tpu.memory_space<vmem>> -> memref<128xi32, #tpu.memory_space<vmem>>
    %dma_start3A_91 = arith.constant 0 : i32
    %dma_start3A_92 = arith.constant 0 : i32
    %dma_start3A_93 = tpu.memref_slice %arg4[%dma_start3A_91, %dma_start3A_92] : memref<1000000x32xf32, #tpu.memory_space<hbm>> -> memref<1000000x32xf32, #tpu.memory_space<hbm>>
    tpu.enqueue_indirect_dma source(%dma_start3A_93 : memref<1000000x32xf32, #tpu.memory_space<hbm>>) target(%dma_start3A_88 : memref<128x32xf32, #tpu.memory_space<vmem>>) offsets(%dma_start3A_90 : memref<128xi32, #tpu.memory_space<vmem>>) semaphore(%arg18 : memref<!tpu.dma_semaphore, #tpu.memory_space<semaphore_mem>>)
    %dma_start3A_94 = arith.constant 384 : i32
    %dma_start3A_95 = arith.constant 0 : i32
    %dma_start3A_96 = tpu.memref_slice %arg13[%dma_start3A_94, %dma_start3A_95] : memref<512x32xf32, #tpu.memory_space<vmem>> -> memref<128x32xf32, #tpu.memory_space<vmem>>
    %dma_start3A_97 = arith.constant 384 : i32
    %dma_start3A_98 = tpu.memref_slice %arg11[%dma_start3A_97] : memref<512xi32, #tpu.memory_space<vmem>> -> memref<128xi32, #tpu.memory_space<vmem>>
    %dma_start3A_99 = arith.constant 0 : i32
    %dma_start3A_100 = arith.constant 0 : i32
    %dma_start3A_101 = tpu.memref_slice %arg5[%dma_start3A_99, %dma_start3A_100] : memref<100000x32xf32, #tpu.memory_space<hbm>> -> memref<100000x32xf32, #tpu.memory_space<hbm>>
    tpu.enqueue_indirect_dma source(%dma_start3A_101 : memref<100000x32xf32, #tpu.memory_space<hbm>>) target(%dma_start3A_96 : memref<128x32xf32, #tpu.memory_space<vmem>>) offsets(%dma_start3A_98 : memref<128xi32, #tpu.memory_space<vmem>>) semaphore(%arg19 : memref<!tpu.dma_semaphore, #tpu.memory_space<semaphore_mem>>)
    %dma_start3A_102 = arith.constant 384 : i32
    %dma_start3A_103 = tpu.memref_slice %arg14[%dma_start3A_102] : memref<512xf32, #tpu.memory_space<vmem>> -> memref<128xf32, #tpu.memory_space<vmem>>
    %dma_start3A_104 = arith.constant 384 : i32
    %dma_start3A_105 = tpu.memref_slice %arg10[%dma_start3A_104] : memref<512xi32, #tpu.memory_space<vmem>> -> memref<128xi32, #tpu.memory_space<vmem>>
    %dma_start3A_106 = arith.constant 0 : i32
    %dma_start3A_107 = tpu.memref_slice %arg6[%dma_start3A_106] : memref<1000000xf32, #tpu.memory_space<hbm>> -> memref<1000000xf32, #tpu.memory_space<hbm>>
    tpu.enqueue_indirect_dma source(%dma_start3A_107 : memref<1000000xf32, #tpu.memory_space<hbm>>) target(%dma_start3A_103 : memref<128xf32, #tpu.memory_space<vmem>>) offsets(%dma_start3A_105 : memref<128xi32, #tpu.memory_space<vmem>>) semaphore(%arg20 : memref<!tpu.dma_semaphore, #tpu.memory_space<semaphore_mem>>)
    %dma_start3A_108 = arith.constant 384 : i32
    %dma_start3A_109 = tpu.memref_slice %arg15[%dma_start3A_108] : memref<512xf32, #tpu.memory_space<vmem>> -> memref<128xf32, #tpu.memory_space<vmem>>
    %dma_start3A_110 = arith.constant 384 : i32
    %dma_start3A_111 = tpu.memref_slice %arg11[%dma_start3A_110] : memref<512xi32, #tpu.memory_space<vmem>> -> memref<128xi32, #tpu.memory_space<vmem>>
    %dma_start3A_112 = arith.constant 0 : i32
    %dma_start3A_113 = tpu.memref_slice %arg7[%dma_start3A_112] : memref<100000xf32, #tpu.memory_space<hbm>> -> memref<100000xf32, #tpu.memory_space<hbm>>
    tpu.enqueue_indirect_dma source(%dma_start3A_113 : memref<100000xf32, #tpu.memory_space<hbm>>) target(%dma_start3A_109 : memref<128xf32, #tpu.memory_space<vmem>>) offsets(%dma_start3A_111 : memref<128xi32, #tpu.memory_space<vmem>>) semaphore(%arg21 : memref<!tpu.dma_semaphore, #tpu.memory_space<semaphore_mem>>)
    %dma_wait3A = arith.constant 0 : i32
    %dma_wait3A_114 = arith.constant 0 : i32
    %dma_wait3A_115 = tpu.memref_slice %arg12[%dma_wait3A, %dma_wait3A_114] : memref<512x32xf32, #tpu.memory_space<vmem>> -> memref<128x32xf32, #tpu.memory_space<vmem>>
    %dma_wait3A_116 = arith.constant 0 : i32
    %dma_wait3A_117 = tpu.memref_slice %arg10[%dma_wait3A_116] : memref<512xi32, #tpu.memory_space<vmem>> -> memref<128xi32, #tpu.memory_space<vmem>>
    %dma_wait3A_118 = arith.constant 0 : i32
    %dma_wait3A_119 = arith.constant 0 : i32
    %dma_wait3A_120 = tpu.memref_slice %arg4[%dma_wait3A_118, %dma_wait3A_119] : memref<1000000x32xf32, #tpu.memory_space<hbm>> -> memref<1000000x32xf32, #tpu.memory_space<hbm>>
    tpu.wait_indirect_dma semaphore(%arg18 : memref<!tpu.dma_semaphore, #tpu.memory_space<semaphore_mem>>) src(%dma_wait3A_120 : memref<1000000x32xf32, #tpu.memory_space<hbm>>) dst(%dma_wait3A_115 : memref<128x32xf32, #tpu.memory_space<vmem>>)
    %dma_wait3A_121 = arith.constant 0 : i32
    %dma_wait3A_122 = arith.constant 0 : i32
    %dma_wait3A_123 = tpu.memref_slice %arg13[%dma_wait3A_121, %dma_wait3A_122] : memref<512x32xf32, #tpu.memory_space<vmem>> -> memref<128x32xf32, #tpu.memory_space<vmem>>
    %dma_wait3A_124 = arith.constant 0 : i32
    %dma_wait3A_125 = tpu.memref_slice %arg11[%dma_wait3A_124] : memref<512xi32, #tpu.memory_space<vmem>> -> memref<128xi32, #tpu.memory_space<vmem>>
    %dma_wait3A_126 = arith.constant 0 : i32
    %dma_wait3A_127 = arith.constant 0 : i32
    %dma_wait3A_128 = tpu.memref_slice %arg5[%dma_wait3A_126, %dma_wait3A_127] : memref<100000x32xf32, #tpu.memory_space<hbm>> -> memref<100000x32xf32, #tpu.memory_space<hbm>>
    tpu.wait_indirect_dma semaphore(%arg19 : memref<!tpu.dma_semaphore, #tpu.memory_space<semaphore_mem>>) src(%dma_wait3A_128 : memref<100000x32xf32, #tpu.memory_space<hbm>>) dst(%dma_wait3A_123 : memref<128x32xf32, #tpu.memory_space<vmem>>)
    %dma_wait3A_129 = arith.constant 0 : i32
    %dma_wait3A_130 = tpu.memref_slice %arg14[%dma_wait3A_129] : memref<512xf32, #tpu.memory_space<vmem>> -> memref<128xf32, #tpu.memory_space<vmem>>
    %dma_wait3A_131 = arith.constant 0 : i32
    %dma_wait3A_132 = tpu.memref_slice %arg10[%dma_wait3A_131] : memref<512xi32, #tpu.memory_space<vmem>> -> memref<128xi32, #tpu.memory_space<vmem>>
    %dma_wait3A_133 = arith.constant 0 : i32
    %dma_wait3A_134 = tpu.memref_slice %arg6[%dma_wait3A_133] : memref<1000000xf32, #tpu.memory_space<hbm>> -> memref<1000000xf32, #tpu.memory_space<hbm>>
    tpu.wait_indirect_dma semaphore(%arg20 : memref<!tpu.dma_semaphore, #tpu.memory_space<semaphore_mem>>) src(%dma_wait3A_134 : memref<1000000xf32, #tpu.memory_space<hbm>>) dst(%dma_wait3A_130 : memref<128xf32, #tpu.memory_space<vmem>>)
    %dma_wait3A_135 = arith.constant 0 : i32
    %dma_wait3A_136 = tpu.memref_slice %arg15[%dma_wait3A_135] : memref<512xf32, #tpu.memory_space<vmem>> -> memref<128xf32, #tpu.memory_space<vmem>>
    %dma_wait3A_137 = arith.constant 0 : i32
    %dma_wait3A_138 = tpu.memref_slice %arg11[%dma_wait3A_137] : memref<512xi32, #tpu.memory_space<vmem>> -> memref<128xi32, #tpu.memory_space<vmem>>
    %dma_wait3A_139 = arith.constant 0 : i32
    %dma_wait3A_140 = tpu.memref_slice %arg7[%dma_wait3A_139] : memref<100000xf32, #tpu.memory_space<hbm>> -> memref<100000xf32, #tpu.memory_space<hbm>>
    tpu.wait_indirect_dma semaphore(%arg21 : memref<!tpu.dma_semaphore, #tpu.memory_space<semaphore_mem>>) src(%dma_wait3A_140 : memref<100000xf32, #tpu.memory_space<hbm>>) dst(%dma_wait3A_136 : memref<128xf32, #tpu.memory_space<vmem>>)
    %dma_wait3A_141 = arith.constant 128 : i32
    %dma_wait3A_142 = arith.constant 0 : i32
    %dma_wait3A_143 = tpu.memref_slice %arg12[%dma_wait3A_141, %dma_wait3A_142] : memref<512x32xf32, #tpu.memory_space<vmem>> -> memref<128x32xf32, #tpu.memory_space<vmem>>
    %dma_wait3A_144 = arith.constant 128 : i32
    %dma_wait3A_145 = tpu.memref_slice %arg10[%dma_wait3A_144] : memref<512xi32, #tpu.memory_space<vmem>> -> memref<128xi32, #tpu.memory_space<vmem>>
    %dma_wait3A_146 = arith.constant 0 : i32
    %dma_wait3A_147 = arith.constant 0 : i32
    %dma_wait3A_148 = tpu.memref_slice %arg4[%dma_wait3A_146, %dma_wait3A_147] : memref<1000000x32xf32, #tpu.memory_space<hbm>> -> memref<1000000x32xf32, #tpu.memory_space<hbm>>
    tpu.wait_indirect_dma semaphore(%arg18 : memref<!tpu.dma_semaphore, #tpu.memory_space<semaphore_mem>>) src(%dma_wait3A_148 : memref<1000000x32xf32, #tpu.memory_space<hbm>>) dst(%dma_wait3A_143 : memref<128x32xf32, #tpu.memory_space<vmem>>)
    %dma_wait3A_149 = arith.constant 128 : i32
    %dma_wait3A_150 = arith.constant 0 : i32
    %dma_wait3A_151 = tpu.memref_slice %arg13[%dma_wait3A_149, %dma_wait3A_150] : memref<512x32xf32, #tpu.memory_space<vmem>> -> memref<128x32xf32, #tpu.memory_space<vmem>>
    %dma_wait3A_152 = arith.constant 128 : i32
    %dma_wait3A_153 = tpu.memref_slice %arg11[%dma_wait3A_152] : memref<512xi32, #tpu.memory_space<vmem>> -> memref<128xi32, #tpu.memory_space<vmem>>
    %dma_wait3A_154 = arith.constant 0 : i32
    %dma_wait3A_155 = arith.constant 0 : i32
    %dma_wait3A_156 = tpu.memref_slice %arg5[%dma_wait3A_154, %dma_wait3A_155] : memref<100000x32xf32, #tpu.memory_space<hbm>> -> memref<100000x32xf32, #tpu.memory_space<hbm>>
    tpu.wait_indirect_dma semaphore(%arg19 : memref<!tpu.dma_semaphore, #tpu.memory_space<semaphore_mem>>) src(%dma_wait3A_156 : memref<100000x32xf32, #tpu.memory_space<hbm>>) dst(%dma_wait3A_151 : memref<128x32xf32, #tpu.memory_space<vmem>>)
    %dma_wait3A_157 = arith.constant 128 : i32
    %dma_wait3A_158 = tpu.memref_slice %arg14[%dma_wait3A_157] : memref<512xf32, #tpu.memory_space<vmem>> -> memref<128xf32, #tpu.memory_space<vmem>>
    %dma_wait3A_159 = arith.constant 128 : i32
    %dma_wait3A_160 = tpu.memref_slice %arg10[%dma_wait3A_159] : memref<512xi32, #tpu.memory_space<vmem>> -> memref<128xi32, #tpu.memory_space<vmem>>
    %dma_wait3A_161 = arith.constant 0 : i32
    %dma_wait3A_162 = tpu.memref_slice %arg6[%dma_wait3A_161] : memref<1000000xf32, #tpu.memory_space<hbm>> -> memref<1000000xf32, #tpu.memory_space<hbm>>
    tpu.wait_indirect_dma semaphore(%arg20 : memref<!tpu.dma_semaphore, #tpu.memory_space<semaphore_mem>>) src(%dma_wait3A_162 : memref<1000000xf32, #tpu.memory_space<hbm>>) dst(%dma_wait3A_158 : memref<128xf32, #tpu.memory_space<vmem>>)
    %dma_wait3A_163 = arith.constant 128 : i32
    %dma_wait3A_164 = tpu.memref_slice %arg15[%dma_wait3A_163] : memref<512xf32, #tpu.memory_space<vmem>> -> memref<128xf32, #tpu.memory_space<vmem>>
    %dma_wait3A_165 = arith.constant 128 : i32
    %dma_wait3A_166 = tpu.memref_slice %arg11[%dma_wait3A_165] : memref<512xi32, #tpu.memory_space<vmem>> -> memref<128xi32, #tpu.memory_space<vmem>>
    %dma_wait3A_167 = arith.constant 0 : i32
    %dma_wait3A_168 = tpu.memref_slice %arg7[%dma_wait3A_167] : memref<100000xf32, #tpu.memory_space<hbm>> -> memref<100000xf32, #tpu.memory_space<hbm>>
    tpu.wait_indirect_dma semaphore(%arg21 : memref<!tpu.dma_semaphore, #tpu.memory_space<semaphore_mem>>) src(%dma_wait3A_168 : memref<100000xf32, #tpu.memory_space<hbm>>) dst(%dma_wait3A_164 : memref<128xf32, #tpu.memory_space<vmem>>)
    %dma_wait3A_169 = arith.constant 256 : i32
    %dma_wait3A_170 = arith.constant 0 : i32
    %dma_wait3A_171 = tpu.memref_slice %arg12[%dma_wait3A_169, %dma_wait3A_170] : memref<512x32xf32, #tpu.memory_space<vmem>> -> memref<128x32xf32, #tpu.memory_space<vmem>>
    %dma_wait3A_172 = arith.constant 256 : i32
    %dma_wait3A_173 = tpu.memref_slice %arg10[%dma_wait3A_172] : memref<512xi32, #tpu.memory_space<vmem>> -> memref<128xi32, #tpu.memory_space<vmem>>
    %dma_wait3A_174 = arith.constant 0 : i32
    %dma_wait3A_175 = arith.constant 0 : i32
    %dma_wait3A_176 = tpu.memref_slice %arg4[%dma_wait3A_174, %dma_wait3A_175] : memref<1000000x32xf32, #tpu.memory_space<hbm>> -> memref<1000000x32xf32, #tpu.memory_space<hbm>>
    tpu.wait_indirect_dma semaphore(%arg18 : memref<!tpu.dma_semaphore, #tpu.memory_space<semaphore_mem>>) src(%dma_wait3A_176 : memref<1000000x32xf32, #tpu.memory_space<hbm>>) dst(%dma_wait3A_171 : memref<128x32xf32, #tpu.memory_space<vmem>>)
    %dma_wait3A_177 = arith.constant 256 : i32
    %dma_wait3A_178 = arith.constant 0 : i32
    %dma_wait3A_179 = tpu.memref_slice %arg13[%dma_wait3A_177, %dma_wait3A_178] : memref<512x32xf32, #tpu.memory_space<vmem>> -> memref<128x32xf32, #tpu.memory_space<vmem>>
    %dma_wait3A_180 = arith.constant 256 : i32
    %dma_wait3A_181 = tpu.memref_slice %arg11[%dma_wait3A_180] : memref<512xi32, #tpu.memory_space<vmem>> -> memref<128xi32, #tpu.memory_space<vmem>>
    %dma_wait3A_182 = arith.constant 0 : i32
    %dma_wait3A_183 = arith.constant 0 : i32
    %dma_wait3A_184 = tpu.memref_slice %arg5[%dma_wait3A_182, %dma_wait3A_183] : memref<100000x32xf32, #tpu.memory_space<hbm>> -> memref<100000x32xf32, #tpu.memory_space<hbm>>
    tpu.wait_indirect_dma semaphore(%arg19 : memref<!tpu.dma_semaphore, #tpu.memory_space<semaphore_mem>>) src(%dma_wait3A_184 : memref<100000x32xf32, #tpu.memory_space<hbm>>) dst(%dma_wait3A_179 : memref<128x32xf32, #tpu.memory_space<vmem>>)
    %dma_wait3A_185 = arith.constant 256 : i32
    %dma_wait3A_186 = tpu.memref_slice %arg14[%dma_wait3A_185] : memref<512xf32, #tpu.memory_space<vmem>> -> memref<128xf32, #tpu.memory_space<vmem>>
    %dma_wait3A_187 = arith.constant 256 : i32
    %dma_wait3A_188 = tpu.memref_slice %arg10[%dma_wait3A_187] : memref<512xi32, #tpu.memory_space<vmem>> -> memref<128xi32, #tpu.memory_space<vmem>>
    %dma_wait3A_189 = arith.constant 0 : i32
    %dma_wait3A_190 = tpu.memref_slice %arg6[%dma_wait3A_189] : memref<1000000xf32, #tpu.memory_space<hbm>> -> memref<1000000xf32, #tpu.memory_space<hbm>>
    tpu.wait_indirect_dma semaphore(%arg20 : memref<!tpu.dma_semaphore, #tpu.memory_space<semaphore_mem>>) src(%dma_wait3A_190 : memref<1000000xf32, #tpu.memory_space<hbm>>) dst(%dma_wait3A_186 : memref<128xf32, #tpu.memory_space<vmem>>)
    %dma_wait3A_191 = arith.constant 256 : i32
    %dma_wait3A_192 = tpu.memref_slice %arg15[%dma_wait3A_191] : memref<512xf32, #tpu.memory_space<vmem>> -> memref<128xf32, #tpu.memory_space<vmem>>
    %dma_wait3A_193 = arith.constant 256 : i32
    %dma_wait3A_194 = tpu.memref_slice %arg11[%dma_wait3A_193] : memref<512xi32, #tpu.memory_space<vmem>> -> memref<128xi32, #tpu.memory_space<vmem>>
    %dma_wait3A_195 = arith.constant 0 : i32
    %dma_wait3A_196 = tpu.memref_slice %arg7[%dma_wait3A_195] : memref<100000xf32, #tpu.memory_space<hbm>> -> memref<100000xf32, #tpu.memory_space<hbm>>
    tpu.wait_indirect_dma semaphore(%arg21 : memref<!tpu.dma_semaphore, #tpu.memory_space<semaphore_mem>>) src(%dma_wait3A_196 : memref<100000xf32, #tpu.memory_space<hbm>>) dst(%dma_wait3A_192 : memref<128xf32, #tpu.memory_space<vmem>>)
    %dma_wait3A_197 = arith.constant 384 : i32
    %dma_wait3A_198 = arith.constant 0 : i32
    %dma_wait3A_199 = tpu.memref_slice %arg12[%dma_wait3A_197, %dma_wait3A_198] : memref<512x32xf32, #tpu.memory_space<vmem>> -> memref<128x32xf32, #tpu.memory_space<vmem>>
    %dma_wait3A_200 = arith.constant 384 : i32
    %dma_wait3A_201 = tpu.memref_slice %arg10[%dma_wait3A_200] : memref<512xi32, #tpu.memory_space<vmem>> -> memref<128xi32, #tpu.memory_space<vmem>>
    %dma_wait3A_202 = arith.constant 0 : i32
    %dma_wait3A_203 = arith.constant 0 : i32
    %dma_wait3A_204 = tpu.memref_slice %arg4[%dma_wait3A_202, %dma_wait3A_203] : memref<1000000x32xf32, #tpu.memory_space<hbm>> -> memref<1000000x32xf32, #tpu.memory_space<hbm>>
    tpu.wait_indirect_dma semaphore(%arg18 : memref<!tpu.dma_semaphore, #tpu.memory_space<semaphore_mem>>) src(%dma_wait3A_204 : memref<1000000x32xf32, #tpu.memory_space<hbm>>) dst(%dma_wait3A_199 : memref<128x32xf32, #tpu.memory_space<vmem>>)
    %dma_wait3A_205 = arith.constant 384 : i32
    %dma_wait3A_206 = arith.constant 0 : i32
    %dma_wait3A_207 = tpu.memref_slice %arg13[%dma_wait3A_205, %dma_wait3A_206] : memref<512x32xf32, #tpu.memory_space<vmem>> -> memref<128x32xf32, #tpu.memory_space<vmem>>
    %dma_wait3A_208 = arith.constant 384 : i32
    %dma_wait3A_209 = tpu.memref_slice %arg11[%dma_wait3A_208] : memref<512xi32, #tpu.memory_space<vmem>> -> memref<128xi32, #tpu.memory_space<vmem>>
    %dma_wait3A_210 = arith.constant 0 : i32
    %dma_wait3A_211 = arith.constant 0 : i32
    %dma_wait3A_212 = tpu.memref_slice %arg5[%dma_wait3A_210, %dma_wait3A_211] : memref<100000x32xf32, #tpu.memory_space<hbm>> -> memref<100000x32xf32, #tpu.memory_space<hbm>>
    tpu.wait_indirect_dma semaphore(%arg19 : memref<!tpu.dma_semaphore, #tpu.memory_space<semaphore_mem>>) src(%dma_wait3A_212 : memref<100000x32xf32, #tpu.memory_space<hbm>>) dst(%dma_wait3A_207 : memref<128x32xf32, #tpu.memory_space<vmem>>)
    %dma_wait3A_213 = arith.constant 384 : i32
    %dma_wait3A_214 = tpu.memref_slice %arg14[%dma_wait3A_213] : memref<512xf32, #tpu.memory_space<vmem>> -> memref<128xf32, #tpu.memory_space<vmem>>
    %dma_wait3A_215 = arith.constant 384 : i32
    %dma_wait3A_216 = tpu.memref_slice %arg10[%dma_wait3A_215] : memref<512xi32, #tpu.memory_space<vmem>> -> memref<128xi32, #tpu.memory_space<vmem>>
    %dma_wait3A_217 = arith.constant 0 : i32
    %dma_wait3A_218 = tpu.memref_slice %arg6[%dma_wait3A_217] : memref<1000000xf32, #tpu.memory_space<hbm>> -> memref<1000000xf32, #tpu.memory_space<hbm>>
    tpu.wait_indirect_dma semaphore(%arg20 : memref<!tpu.dma_semaphore, #tpu.memory_space<semaphore_mem>>) src(%dma_wait3A_218 : memref<1000000xf32, #tpu.memory_space<hbm>>) dst(%dma_wait3A_214 : memref<128xf32, #tpu.memory_space<vmem>>)
    %dma_wait3A_219 = arith.constant 384 : i32
    %dma_wait3A_220 = tpu.memref_slice %arg15[%dma_wait3A_219] : memref<512xf32, #tpu.memory_space<vmem>> -> memref<128xf32, #tpu.memory_space<vmem>>
    %dma_wait3A_221 = arith.constant 384 : i32
    %dma_wait3A_222 = tpu.memref_slice %arg11[%dma_wait3A_221] : memref<512xi32, #tpu.memory_space<vmem>> -> memref<128xi32, #tpu.memory_space<vmem>>
    %dma_wait3A_223 = arith.constant 0 : i32
    %dma_wait3A_224 = tpu.memref_slice %arg7[%dma_wait3A_223] : memref<100000xf32, #tpu.memory_space<hbm>> -> memref<100000xf32, #tpu.memory_space<hbm>>
    tpu.wait_indirect_dma semaphore(%arg21 : memref<!tpu.dma_semaphore, #tpu.memory_space<semaphore_mem>>) src(%dma_wait3A_224 : memref<100000xf32, #tpu.memory_space<hbm>>) dst(%dma_wait3A_220 : memref<128xf32, #tpu.memory_space<vmem>>)
    %iota3A = tpu.iota {dimensions = array<i32: 0>} : vector<16xi32>
    %get3A = arith.constant 0 : index
    %get3A_225 = tpu.vector_load %arg16[%get3A] {strides = array<i32>} : memref<16xf32, #tpu.memory_space<vmem>>, vector<16xf32>,
    %scan3A = arith.constant 0 : i32
    %scan3A_226 = arith.constant 32 : i32
    %scan3A_227 = arith.addi %scan3A, %scan3A_226 : i32
    %scan3A_228 = arith.constant 1 : i32
    scf.for %scan3A_230 = %scan3A to %scan3A_227 step %scan3A_228  : i32 {
      %mul3A_231 = arith.constant 16 : i32
      %mul3A_232 = arith.muli %scan3A_230, %mul3A_231 : i32
      %add3A_233 = arith.constant 0 : i32
      %add3A_234 = arith.addi %add3A_233, %mul3A_232 : i32
      %add3A_235 = vector.broadcast %add3A_234 : i32 to vector<16xi32>
      %add3A_236 = arith.addi %iota3A, %add3A_235 : vector<16xi32>
      %broadcast_in_dim3A = arith.constant 0.000000e+00 : f32
      %broadcast_in_dim3A_237 = vector.broadcast %broadcast_in_dim3A : f32 to vector<16xf32>
      %broadcast_in_dim3A_238 = arith.constant 0 : i32
      %broadcast_in_dim3A_239 = vector.broadcast %broadcast_in_dim3A_238 : i32 to vector<16xi32>
      %gather3A = tpu.vector_load_idx %arg12[%add3A_236, %broadcast_in_dim3A_239] : memref<512x32xf32, #tpu.memory_space<vmem>>[vector<16xi32>, vector<16xi32>], vector<16xf32>,
      %gather3A_240 = tpu.vector_load_idx %arg13[%add3A_236, %broadcast_in_dim3A_239] : memref<512x32xf32, #tpu.memory_space<vmem>>[vector<16xi32>, vector<16xi32>], vector<16xf32>,
      %mul3A_241 = arith.mulf %gather3A, %gather3A_240 : vector<16xf32>
      %add3A_242 = arith.addf %broadcast_in_dim3A_237, %mul3A_241 : vector<16xf32>
      %broadcast_in_dim3A_243 = arith.constant 1 : i32
      %broadcast_in_dim3A_244 = vector.broadcast %broadcast_in_dim3A_243 : i32 to vector<16xi32>
      %gather3A_245 = tpu.vector_load_idx %arg12[%add3A_236, %broadcast_in_dim3A_244] : memref<512x32xf32, #tpu.memory_space<vmem>>[vector<16xi32>, vector<16xi32>], vector<16xf32>,
      %gather3A_246 = tpu.vector_load_idx %arg13[%add3A_236, %broadcast_in_dim3A_244] : memref<512x32xf32, #tpu.memory_space<vmem>>[vector<16xi32>, vector<16xi32>], vector<16xf32>,
      %mul3A_247 = arith.mulf %gather3A_245, %gather3A_246 : vector<16xf32>
      %add3A_248 = arith.addf %add3A_242, %mul3A_247 : vector<16xf32>
      %broadcast_in_dim3A_249 = arith.constant 2 : i32
      %broadcast_in_dim3A_250 = vector.broadcast %broadcast_in_dim3A_249 : i32 to vector<16xi32>
      %gather3A_251 = tpu.vector_load_idx %arg12[%add3A_236, %broadcast_in_dim3A_250] : memref<512x32xf32, #tpu.memory_space<vmem>>[vector<16xi32>, vector<16xi32>], vector<16xf32>,
      %gather3A_252 = tpu.vector_load_idx %arg13[%add3A_236, %broadcast_in_dim3A_250] : memref<512x32xf32, #tpu.memory_space<vmem>>[vector<16xi32>, vector<16xi32>], vector<16xf32>,
      %mul3A_253 = arith.mulf %gather3A_251, %gather3A_252 : vector<16xf32>
      %add3A_254 = arith.addf %add3A_248, %mul3A_253 : vector<16xf32>
      %broadcast_in_dim3A_255 = arith.constant 3 : i32
      %broadcast_in_dim3A_256 = vector.broadcast %broadcast_in_dim3A_255 : i32 to vector<16xi32>
      %gather3A_257 = tpu.vector_load_idx %arg12[%add3A_236, %broadcast_in_dim3A_256] : memref<512x32xf32, #tpu.memory_space<vmem>>[vector<16xi32>, vector<16xi32>], vector<16xf32>,
      %gather3A_258 = tpu.vector_load_idx %arg13[%add3A_236, %broadcast_in_dim3A_256] : memref<512x32xf32, #tpu.memory_space<vmem>>[vector<16xi32>, vector<16xi32>], vector<16xf32>,
      %mul3A_259 = arith.mulf %gather3A_257, %gather3A_258 : vector<16xf32>
      %add3A_260 = arith.addf %add3A_254, %mul3A_259 : vector<16xf32>
      %broadcast_in_dim3A_261 = arith.constant 4 : i32
      %broadcast_in_dim3A_262 = vector.broadcast %broadcast_in_dim3A_261 : i32 to vector<16xi32>
      %gather3A_263 = tpu.vector_load_idx %arg12[%add3A_236, %broadcast_in_dim3A_262] : memref<512x32xf32, #tpu.memory_space<vmem>>[vector<16xi32>, vector<16xi32>], vector<16xf32>,
      %gather3A_264 = tpu.vector_load_idx %arg13[%add3A_236, %broadcast_in_dim3A_262] : memref<512x32xf32, #tpu.memory_space<vmem>>[vector<16xi32>, vector<16xi32>], vector<16xf32>,
      %mul3A_265 = arith.mulf %gather3A_263, %gather3A_264 : vector<16xf32>
      %add3A_266 = arith.addf %add3A_260, %mul3A_265 : vector<16xf32>
      %broadcast_in_dim3A_267 = arith.constant 5 : i32
      %broadcast_in_dim3A_268 = vector.broadcast %broadcast_in_dim3A_267 : i32 to vector<16xi32>
      %gather3A_269 = tpu.vector_load_idx %arg12[%add3A_236, %broadcast_in_dim3A_268] : memref<512x32xf32, #tpu.memory_space<vmem>>[vector<16xi32>, vector<16xi32>], vector<16xf32>,
      %gather3A_270 = tpu.vector_load_idx %arg13[%add3A_236, %broadcast_in_dim3A_268] : memref<512x32xf32, #tpu.memory_space<vmem>>[vector<16xi32>, vector<16xi32>], vector<16xf32>,
      %mul3A_271 = arith.mulf %gather3A_269, %gather3A_270 : vector<16xf32>
      %add3A_272 = arith.addf %add3A_266, %mul3A_271 : vector<16xf32>
      %broadcast_in_dim3A_273 = arith.constant 6 : i32
      %broadcast_in_dim3A_274 = vector.broadcast %broadcast_in_dim3A_273 : i32 to vector<16xi32>
      %gather3A_275 = tpu.vector_load_idx %arg12[%add3A_236, %broadcast_in_dim3A_274] : memref<512x32xf32, #tpu.memory_space<vmem>>[vector<16xi32>, vector<16xi32>], vector<16xf32>,
      %gather3A_276 = tpu.vector_load_idx %arg13[%add3A_236, %broadcast_in_dim3A_274] : memref<512x32xf32, #tpu.memory_space<vmem>>[vector<16xi32>, vector<16xi32>], vector<16xf32>,
      %mul3A_277 = arith.mulf %gather3A_275, %gather3A_276 : vector<16xf32>
      %add3A_278 = arith.addf %add3A_272, %mul3A_277 : vector<16xf32>
      %broadcast_in_dim3A_279 = arith.constant 7 : i32
      %broadcast_in_dim3A_280 = vector.broadcast %broadcast_in_dim3A_279 : i32 to vector<16xi32>
      %gather3A_281 = tpu.vector_load_idx %arg12[%add3A_236, %broadcast_in_dim3A_280] : memref<512x32xf32, #tpu.memory_space<vmem>>[vector<16xi32>, vector<16xi32>], vector<16xf32>,
      %gather3A_282 = tpu.vector_load_idx %arg13[%add3A_236, %broadcast_in_dim3A_280] : memref<512x32xf32, #tpu.memory_space<vmem>>[vector<16xi32>, vector<16xi32>], vector<16xf32>,
      %mul3A_283 = arith.mulf %gather3A_281, %gather3A_282 : vector<16xf32>
      %add3A_284 = arith.addf %add3A_278, %mul3A_283 : vector<16xf32>
      %broadcast_in_dim3A_285 = arith.constant 8 : i32
      %broadcast_in_dim3A_286 = vector.broadcast %broadcast_in_dim3A_285 : i32 to vector<16xi32>
      %gather3A_287 = tpu.vector_load_idx %arg12[%add3A_236, %broadcast_in_dim3A_286] : memref<512x32xf32, #tpu.memory_space<vmem>>[vector<16xi32>, vector<16xi32>], vector<16xf32>,
      %gather3A_288 = tpu.vector_load_idx %arg13[%add3A_236, %broadcast_in_dim3A_286] : memref<512x32xf32, #tpu.memory_space<vmem>>[vector<16xi32>, vector<16xi32>], vector<16xf32>,
      %mul3A_289 = arith.mulf %gather3A_287, %gather3A_288 : vector<16xf32>
      %add3A_290 = arith.addf %add3A_284, %mul3A_289 : vector<16xf32>
      %broadcast_in_dim3A_291 = arith.constant 9 : i32
      %broadcast_in_dim3A_292 = vector.broadcast %broadcast_in_dim3A_291 : i32 to vector<16xi32>
      %gather3A_293 = tpu.vector_load_idx %arg12[%add3A_236, %broadcast_in_dim3A_292] : memref<512x32xf32, #tpu.memory_space<vmem>>[vector<16xi32>, vector<16xi32>], vector<16xf32>,
      %gather3A_294 = tpu.vector_load_idx %arg13[%add3A_236, %broadcast_in_dim3A_292] : memref<512x32xf32, #tpu.memory_space<vmem>>[vector<16xi32>, vector<16xi32>], vector<16xf32>,
      %mul3A_295 = arith.mulf %gather3A_293, %gather3A_294 : vector<16xf32>
      %add3A_296 = arith.addf %add3A_290, %mul3A_295 : vector<16xf32>
      %broadcast_in_dim3A_297 = arith.constant 10 : i32
      %broadcast_in_dim3A_298 = vector.broadcast %broadcast_in_dim3A_297 : i32 to vector<16xi32>
      %gather3A_299 = tpu.vector_load_idx %arg12[%add3A_236, %broadcast_in_dim3A_298] : memref<512x32xf32, #tpu.memory_space<vmem>>[vector<16xi32>, vector<16xi32>], vector<16xf32>,
      %gather3A_300 = tpu.vector_load_idx %arg13[%add3A_236, %broadcast_in_dim3A_298] : memref<512x32xf32, #tpu.memory_space<vmem>>[vector<16xi32>, vector<16xi32>], vector<16xf32>,
      %mul3A_301 = arith.mulf %gather3A_299, %gather3A_300 : vector<16xf32>
      %add3A_302 = arith.addf %add3A_296, %mul3A_301 : vector<16xf32>
      %broadcast_in_dim3A_303 = arith.constant 11 : i32
      %broadcast_in_dim3A_304 = vector.broadcast %broadcast_in_dim3A_303 : i32 to vector<16xi32>
      %gather3A_305 = tpu.vector_load_idx %arg12[%add3A_236, %broadcast_in_dim3A_304] : memref<512x32xf32, #tpu.memory_space<vmem>>[vector<16xi32>, vector<16xi32>], vector<16xf32>,
      %gather3A_306 = tpu.vector_load_idx %arg13[%add3A_236, %broadcast_in_dim3A_304] : memref<512x32xf32, #tpu.memory_space<vmem>>[vector<16xi32>, vector<16xi32>], vector<16xf32>,
      %mul3A_307 = arith.mulf %gather3A_305, %gather3A_306 : vector<16xf32>
      %add3A_308 = arith.addf %add3A_302, %mul3A_307 : vector<16xf32>
      %broadcast_in_dim3A_309 = arith.constant 12 : i32
      %broadcast_in_dim3A_310 = vector.broadcast %broadcast_in_dim3A_309 : i32 to vector<16xi32>
      %gather3A_311 = tpu.vector_load_idx %arg12[%add3A_236, %broadcast_in_dim3A_310] : memref<512x32xf32, #tpu.memory_space<vmem>>[vector<16xi32>, vector<16xi32>], vector<16xf32>,
      %gather3A_312 = tpu.vector_load_idx %arg13[%add3A_236, %broadcast_in_dim3A_310] : memref<512x32xf32, #tpu.memory_space<vmem>>[vector<16xi32>, vector<16xi32>], vector<16xf32>,
      %mul3A_313 = arith.mulf %gather3A_311, %gather3A_312 : vector<16xf32>
      %add3A_314 = arith.addf %add3A_308, %mul3A_313 : vector<16xf32>
      %broadcast_in_dim3A_315 = arith.constant 13 : i32
      %broadcast_in_dim3A_316 = vector.broadcast %broadcast_in_dim3A_315 : i32 to vector<16xi32>
      %gather3A_317 = tpu.vector_load_idx %arg12[%add3A_236, %broadcast_in_dim3A_316] : memref<512x32xf32, #tpu.memory_space<vmem>>[vector<16xi32>, vector<16xi32>], vector<16xf32>,
      %gather3A_318 = tpu.vector_load_idx %arg13[%add3A_236, %broadcast_in_dim3A_316] : memref<512x32xf32, #tpu.memory_space<vmem>>[vector<16xi32>, vector<16xi32>], vector<16xf32>,
      %mul3A_319 = arith.mulf %gather3A_317, %gather3A_318 : vector<16xf32>
      %add3A_320 = arith.addf %add3A_314, %mul3A_319 : vector<16xf32>
      %broadcast_in_dim3A_321 = arith.constant 14 : i32
      %broadcast_in_dim3A_322 = vector.broadcast %broadcast_in_dim3A_321 : i32 to vector<16xi32>
      %gather3A_323 = tpu.vector_load_idx %arg12[%add3A_236, %broadcast_in_dim3A_322] : memref<512x32xf32, #tpu.memory_space<vmem>>[vector<16xi32>, vector<16xi32>], vector<16xf32>,
      %gather3A_324 = tpu.vector_load_idx %arg13[%add3A_236, %broadcast_in_dim3A_322] : memref<512x32xf32, #tpu.memory_space<vmem>>[vector<16xi32>, vector<16xi32>], vector<16xf32>,
      %mul3A_325 = arith.mulf %gather3A_323, %gather3A_324 : vector<16xf32>
      %add3A_326 = arith.addf %add3A_320, %mul3A_325 : vector<16xf32>
      %broadcast_in_dim3A_327 = arith.constant 15 : i32
      %broadcast_in_dim3A_328 = vector.broadcast %broadcast_in_dim3A_327 : i32 to vector<16xi32>
      %gather3A_329 = tpu.vector_load_idx %arg12[%add3A_236, %broadcast_in_dim3A_328] : memref<512x32xf32, #tpu.memory_space<vmem>>[vector<16xi32>, vector<16xi32>], vector<16xf32>,
      %gather3A_330 = tpu.vector_load_idx %arg13[%add3A_236, %broadcast_in_dim3A_328] : memref<512x32xf32, #tpu.memory_space<vmem>>[vector<16xi32>, vector<16xi32>], vector<16xf32>,
      %mul3A_331 = arith.mulf %gather3A_329, %gather3A_330 : vector<16xf32>
      %add3A_332 = arith.addf %add3A_326, %mul3A_331 : vector<16xf32>
      %broadcast_in_dim3A_333 = arith.constant 16 : i32
      %broadcast_in_dim3A_334 = vector.broadcast %broadcast_in_dim3A_333 : i32 to vector<16xi32>
      %gather3A_335 = tpu.vector_load_idx %arg12[%add3A_236, %broadcast_in_dim3A_334] : memref<512x32xf32, #tpu.memory_space<vmem>>[vector<16xi32>, vector<16xi32>], vector<16xf32>,
      %gather3A_336 = tpu.vector_load_idx %arg13[%add3A_236, %broadcast_in_dim3A_334] : memref<512x32xf32, #tpu.memory_space<vmem>>[vector<16xi32>, vector<16xi32>], vector<16xf32>,
      %mul3A_337 = arith.mulf %gather3A_335, %gather3A_336 : vector<16xf32>
      %add3A_338 = arith.addf %add3A_332, %mul3A_337 : vector<16xf32>
      %broadcast_in_dim3A_339 = arith.constant 17 : i32
      %broadcast_in_dim3A_340 = vector.broadcast %broadcast_in_dim3A_339 : i32 to vector<16xi32>
      %gather3A_341 = tpu.vector_load_idx %arg12[%add3A_236, %broadcast_in_dim3A_340] : memref<512x32xf32, #tpu.memory_space<vmem>>[vector<16xi32>, vector<16xi32>], vector<16xf32>,
      %gather3A_342 = tpu.vector_load_idx %arg13[%add3A_236, %broadcast_in_dim3A_340] : memref<512x32xf32, #tpu.memory_space<vmem>>[vector<16xi32>, vector<16xi32>], vector<16xf32>,
      %mul3A_343 = arith.mulf %gather3A_341, %gather3A_342 : vector<16xf32>
      %add3A_344 = arith.addf %add3A_338, %mul3A_343 : vector<16xf32>
      %broadcast_in_dim3A_345 = arith.constant 18 : i32
      %broadcast_in_dim3A_346 = vector.broadcast %broadcast_in_dim3A_345 : i32 to vector<16xi32>
      %gather3A_347 = tpu.vector_load_idx %arg12[%add3A_236, %broadcast_in_dim3A_346] : memref<512x32xf32, #tpu.memory_space<vmem>>[vector<16xi32>, vector<16xi32>], vector<16xf32>,
      %gather3A_348 = tpu.vector_load_idx %arg13[%add3A_236, %broadcast_in_dim3A_346] : memref<512x32xf32, #tpu.memory_space<vmem>>[vector<16xi32>, vector<16xi32>], vector<16xf32>,
      %mul3A_349 = arith.mulf %gather3A_347, %gather3A_348 : vector<16xf32>
      %add3A_350 = arith.addf %add3A_344, %mul3A_349 : vector<16xf32>
      %broadcast_in_dim3A_351 = arith.constant 19 : i32
      %broadcast_in_dim3A_352 = vector.broadcast %broadcast_in_dim3A_351 : i32 to vector<16xi32>
      %gather3A_353 = tpu.vector_load_idx %arg12[%add3A_236, %broadcast_in_dim3A_352] : memref<512x32xf32, #tpu.memory_space<vmem>>[vector<16xi32>, vector<16xi32>], vector<16xf32>,
      %gather3A_354 = tpu.vector_load_idx %arg13[%add3A_236, %broadcast_in_dim3A_352] : memref<512x32xf32, #tpu.memory_space<vmem>>[vector<16xi32>, vector<16xi32>], vector<16xf32>,
      %mul3A_355 = arith.mulf %gather3A_353, %gather3A_354 : vector<16xf32>
      %add3A_356 = arith.addf %add3A_350, %mul3A_355 : vector<16xf32>
      %broadcast_in_dim3A_357 = arith.constant 20 : i32
      %broadcast_in_dim3A_358 = vector.broadcast %broadcast_in_dim3A_357 : i32 to vector<16xi32>
      %gather3A_359 = tpu.vector_load_idx %arg12[%add3A_236, %broadcast_in_dim3A_358] : memref<512x32xf32, #tpu.memory_space<vmem>>[vector<16xi32>, vector<16xi32>], vector<16xf32>,
      %gather3A_360 = tpu.vector_load_idx %arg13[%add3A_236, %broadcast_in_dim3A_358] : memref<512x32xf32, #tpu.memory_space<vmem>>[vector<16xi32>, vector<16xi32>], vector<16xf32>,
      %mul3A_361 = arith.mulf %gather3A_359, %gather3A_360 : vector<16xf32>
      %add3A_362 = arith.addf %add3A_356, %mul3A_361 : vector<16xf32>
      %broadcast_in_dim3A_363 = arith.constant 21 : i32
      %broadcast_in_dim3A_364 = vector.broadcast %broadcast_in_dim3A_363 : i32 to vector<16xi32>
      %gather3A_365 = tpu.vector_load_idx %arg12[%add3A_236, %broadcast_in_dim3A_364] : memref<512x32xf32, #tpu.memory_space<vmem>>[vector<16xi32>, vector<16xi32>], vector<16xf32>,
      %gather3A_366 = tpu.vector_load_idx %arg13[%add3A_236, %broadcast_in_dim3A_364] : memref<512x32xf32, #tpu.memory_space<vmem>>[vector<16xi32>, vector<16xi32>], vector<16xf32>,
      %mul3A_367 = arith.mulf %gather3A_365, %gather3A_366 : vector<16xf32>
      %add3A_368 = arith.addf %add3A_362, %mul3A_367 : vector<16xf32>
      %broadcast_in_dim3A_369 = arith.constant 22 : i32
      %broadcast_in_dim3A_370 = vector.broadcast %broadcast_in_dim3A_369 : i32 to vector<16xi32>
      %gather3A_371 = tpu.vector_load_idx %arg12[%add3A_236, %broadcast_in_dim3A_370] : memref<512x32xf32, #tpu.memory_space<vmem>>[vector<16xi32>, vector<16xi32>], vector<16xf32>,
      %gather3A_372 = tpu.vector_load_idx %arg13[%add3A_236, %broadcast_in_dim3A_370] : memref<512x32xf32, #tpu.memory_space<vmem>>[vector<16xi32>, vector<16xi32>], vector<16xf32>,
      %mul3A_373 = arith.mulf %gather3A_371, %gather3A_372 : vector<16xf32>
      %add3A_374 = arith.addf %add3A_368, %mul3A_373 : vector<16xf32>
      %broadcast_in_dim3A_375 = arith.constant 23 : i32
      %broadcast_in_dim3A_376 = vector.broadcast %broadcast_in_dim3A_375 : i32 to vector<16xi32>
      %gather3A_377 = tpu.vector_load_idx %arg12[%add3A_236, %broadcast_in_dim3A_376] : memref<512x32xf32, #tpu.memory_space<vmem>>[vector<16xi32>, vector<16xi32>], vector<16xf32>,
      %gather3A_378 = tpu.vector_load_idx %arg13[%add3A_236, %broadcast_in_dim3A_376] : memref<512x32xf32, #tpu.memory_space<vmem>>[vector<16xi32>, vector<16xi32>], vector<16xf32>,
      %mul3A_379 = arith.mulf %gather3A_377, %gather3A_378 : vector<16xf32>
      %add3A_380 = arith.addf %add3A_374, %mul3A_379 : vector<16xf32>
      %broadcast_in_dim3A_381 = arith.constant 24 : i32
      %broadcast_in_dim3A_382 = vector.broadcast %broadcast_in_dim3A_381 : i32 to vector<16xi32>
      %gather3A_383 = tpu.vector_load_idx %arg12[%add3A_236, %broadcast_in_dim3A_382] : memref<512x32xf32, #tpu.memory_space<vmem>>[vector<16xi32>, vector<16xi32>], vector<16xf32>,
      %gather3A_384 = tpu.vector_load_idx %arg13[%add3A_236, %broadcast_in_dim3A_382] : memref<512x32xf32, #tpu.memory_space<vmem>>[vector<16xi32>, vector<16xi32>], vector<16xf32>,
      %mul3A_385 = arith.mulf %gather3A_383, %gather3A_384 : vector<16xf32>
      %add3A_386 = arith.addf %add3A_380, %mul3A_385 : vector<16xf32>
      %broadcast_in_dim3A_387 = arith.constant 25 : i32
      %broadcast_in_dim3A_388 = vector.broadcast %broadcast_in_dim3A_387 : i32 to vector<16xi32>
      %gather3A_389 = tpu.vector_load_idx %arg12[%add3A_236, %broadcast_in_dim3A_388] : memref<512x32xf32, #tpu.memory_space<vmem>>[vector<16xi32>, vector<16xi32>], vector<16xf32>,
      %gather3A_390 = tpu.vector_load_idx %arg13[%add3A_236, %broadcast_in_dim3A_388] : memref<512x32xf32, #tpu.memory_space<vmem>>[vector<16xi32>, vector<16xi32>], vector<16xf32>,
      %mul3A_391 = arith.mulf %gather3A_389, %gather3A_390 : vector<16xf32>
      %add3A_392 = arith.addf %add3A_386, %mul3A_391 : vector<16xf32>
      %broadcast_in_dim3A_393 = arith.constant 26 : i32
      %broadcast_in_dim3A_394 = vector.broadcast %broadcast_in_dim3A_393 : i32 to vector<16xi32>
      %gather3A_395 = tpu.vector_load_idx %arg12[%add3A_236, %broadcast_in_dim3A_394] : memref<512x32xf32, #tpu.memory_space<vmem>>[vector<16xi32>, vector<16xi32>], vector<16xf32>,
      %gather3A_396 = tpu.vector_load_idx %arg13[%add3A_236, %broadcast_in_dim3A_394] : memref<512x32xf32, #tpu.memory_space<vmem>>[vector<16xi32>, vector<16xi32>], vector<16xf32>,
      %mul3A_397 = arith.mulf %gather3A_395, %gather3A_396 : vector<16xf32>
      %add3A_398 = arith.addf %add3A_392, %mul3A_397 : vector<16xf32>
      %broadcast_in_dim3A_399 = arith.constant 27 : i32
      %broadcast_in_dim3A_400 = vector.broadcast %broadcast_in_dim3A_399 : i32 to vector<16xi32>
      %gather3A_401 = tpu.vector_load_idx %arg12[%add3A_236, %broadcast_in_dim3A_400] : memref<512x32xf32, #tpu.memory_space<vmem>>[vector<16xi32>, vector<16xi32>], vector<16xf32>,
      %gather3A_402 = tpu.vector_load_idx %arg13[%add3A_236, %broadcast_in_dim3A_400] : memref<512x32xf32, #tpu.memory_space<vmem>>[vector<16xi32>, vector<16xi32>], vector<16xf32>,
      %mul3A_403 = arith.mulf %gather3A_401, %gather3A_402 : vector<16xf32>
      %add3A_404 = arith.addf %add3A_398, %mul3A_403 : vector<16xf32>
      %broadcast_in_dim3A_405 = arith.constant 28 : i32
      %broadcast_in_dim3A_406 = vector.broadcast %broadcast_in_dim3A_405 : i32 to vector<16xi32>
      %gather3A_407 = tpu.vector_load_idx %arg12[%add3A_236, %broadcast_in_dim3A_406] : memref<512x32xf32, #tpu.memory_space<vmem>>[vector<16xi32>, vector<16xi32>], vector<16xf32>,
      %gather3A_408 = tpu.vector_load_idx %arg13[%add3A_236, %broadcast_in_dim3A_406] : memref<512x32xf32, #tpu.memory_space<vmem>>[vector<16xi32>, vector<16xi32>], vector<16xf32>,
      %mul3A_409 = arith.mulf %gather3A_407, %gather3A_408 : vector<16xf32>
      %add3A_410 = arith.addf %add3A_404, %mul3A_409 : vector<16xf32>
      %broadcast_in_dim3A_411 = arith.constant 29 : i32
      %broadcast_in_dim3A_412 = vector.broadcast %broadcast_in_dim3A_411 : i32 to vector<16xi32>
      %gather3A_413 = tpu.vector_load_idx %arg12[%add3A_236, %broadcast_in_dim3A_412] : memref<512x32xf32, #tpu.memory_space<vmem>>[vector<16xi32>, vector<16xi32>], vector<16xf32>,
      %gather3A_414 = tpu.vector_load_idx %arg13[%add3A_236, %broadcast_in_dim3A_412] : memref<512x32xf32, #tpu.memory_space<vmem>>[vector<16xi32>, vector<16xi32>], vector<16xf32>,
      %mul3A_415 = arith.mulf %gather3A_413, %gather3A_414 : vector<16xf32>
      %add3A_416 = arith.addf %add3A_410, %mul3A_415 : vector<16xf32>
      %broadcast_in_dim3A_417 = arith.constant 30 : i32
      %broadcast_in_dim3A_418 = vector.broadcast %broadcast_in_dim3A_417 : i32 to vector<16xi32>
      %gather3A_419 = tpu.vector_load_idx %arg12[%add3A_236, %broadcast_in_dim3A_418] : memref<512x32xf32, #tpu.memory_space<vmem>>[vector<16xi32>, vector<16xi32>], vector<16xf32>,
      %gather3A_420 = tpu.vector_load_idx %arg13[%add3A_236, %broadcast_in_dim3A_418] : memref<512x32xf32, #tpu.memory_space<vmem>>[vector<16xi32>, vector<16xi32>], vector<16xf32>,
      %mul3A_421 = arith.mulf %gather3A_419, %gather3A_420 : vector<16xf32>
      %add3A_422 = arith.addf %add3A_416, %mul3A_421 : vector<16xf32>
      %broadcast_in_dim3A_423 = arith.constant 31 : i32
      %broadcast_in_dim3A_424 = vector.broadcast %broadcast_in_dim3A_423 : i32 to vector<16xi32>
      %gather3A_425 = tpu.vector_load_idx %arg12[%add3A_236, %broadcast_in_dim3A_424] : memref<512x32xf32, #tpu.memory_space<vmem>>[vector<16xi32>, vector<16xi32>], vector<16xf32>,
      %gather3A_426 = tpu.vector_load_idx %arg13[%add3A_236, %broadcast_in_dim3A_424] : memref<512x32xf32, #tpu.memory_space<vmem>>[vector<16xi32>, vector<16xi32>], vector<16xf32>,
      %mul3A_427 = arith.mulf %gather3A_425, %gather3A_426 : vector<16xf32>
      %add3A_428 = arith.addf %add3A_422, %mul3A_427 : vector<16xf32>
      %get3A_429 = arith.index_cast %add3A_234 : i32 to index
      %get3A_430 = tpu.vector_load %arg14[%get3A_429] {strides = array<i32>} : memref<512xf32, #tpu.memory_space<vmem>>, vector<16xf32>,
      %add3A_431 = arith.addf %add3A_428, %get3A_430 : vector<16xf32>
      %get3A_432 = arith.index_cast %add3A_234 : i32 to index
      %get3A_433 = tpu.vector_load %arg15[%get3A_432] {strides = array<i32>} : memref<512xf32, #tpu.memory_space<vmem>>, vector<16xf32>,
      %add3A_434 = arith.addf %add3A_431, %get3A_433 : vector<16xf32>
      %add3A_435 = arith.addf %add3A_434, %get3A_225 : vector<16xf32>
      %swap3A = arith.index_cast %add3A_234 : i32 to index
      %swap3A_436 = tpu.vector_load %arg17[%swap3A] {strides = array<i32>} : memref<512xf32, #tpu.memory_space<vmem>>, vector<16xf32>,
      tpu.vector_store %arg17[%swap3A], %add3A_435 {strides = array<i32>} : memref<512xf32, #tpu.memory_space<vmem>>, vector<16xf32>,
    }
    %scan3A_229 = arith.constant 32 : i32
    "tpu.region"() ({
      %run_scoped3A = tpu.sem_alloc : memref<!tpu.dma_semaphore, #tpu.memory_space<semaphore_mem>>
      %dma_start3A_230 = tpu.memref_slice %arg9[%mul3A_2] : memref<16384xf32, #tpu.memory_space<hbm>> -> memref<512xf32, #tpu.memory_space<hbm>>
      %dma_start3A_231 = tpu.memref_slice %arg9[%mul3A_2] : memref<16384xf32, #tpu.memory_space<hbm>> -> memref<512xf32, #tpu.memory_space<hbm>>
      tpu.enqueue_dma source(%arg17 : memref<512xf32, #tpu.memory_space<vmem>>) target(%dma_start3A_231 : memref<512xf32, #tpu.memory_space<hbm>>) target_semaphore(%run_scoped3A : memref<!tpu.dma_semaphore, #tpu.memory_space<semaphore_mem>>)
      %dma_wait3A_232 = tpu.memref_slice %arg9[%mul3A_2] : memref<16384xf32, #tpu.memory_space<hbm>> -> memref<512xf32, #tpu.memory_space<hbm>>
      %dma_wait3A_233 = tpu.memref_slice %arg9[%mul3A_2] : memref<16384xf32, #tpu.memory_space<hbm>> -> memref<512xf32, #tpu.memory_space<hbm>>
      tpu.wait_dma2 semaphore(%run_scoped3A : memref<!tpu.dma_semaphore, #tpu.memory_space<semaphore_mem>>) src(%arg17 : memref<512xf32, #tpu.memory_space<vmem>>) dst(%dma_wait3A_233 : memref<512xf32, #tpu.memory_space<hbm>>)
      tpu.yield
    }) : () -> ()
    return
  }
}

</mosaic_0001>

<sc_bundles>
// kernel: _fm.3.cloned.1.call-start
scs
__scs_entry_jumppad:
0x0: {  	(pc) =	sbr.rel $0x88, $3  }
0x1: {  	(tag) =	ssettag $0x0;
	lr =	simm.s32 $0x1  }
0x2: {  	[smem:$0x3F9A] =	sst lr;
	_ =	strace $0xD0000000  }
0x3: {  	_ = 	snop  }
0x4: {  	_ = 	snop  }
0x5: {  	_ = 	snop  }
0x6: {  	_ = 	snop  }
0x7: {  	_ = 	snop  }
__scs_overlays_trampoline_lowered:
0x8: {  	[smem:$0x3FA9] =	sst s0  }
0x9: {  	[smem:$0x3FAA] =	sst s1  }
0xa: {  	[smem:$0x3FAB] =	sst s2  }
0xb: {  	[smem:$0x3FAC] =	sst s3  }
0xc: {  	[smem:$0x3FAD] =	sst s4  }
0xd: {  	[smem:$0x3FAE] =	sst s5  }
0xe: {  	[smem:$0x3FAF] =	sst s6  }
0xf: {  	[smem:$0x3FB0] =	sst s7  }
0x10: {  	[smem:$0x3FB1] =	sst s8  }
0x11: {  	[smem:$0x3FB2] =	sst s9;
	s0 =	simm.s32 @!p0 $0x0  }
0x12: {  	s1 =	sld [smem:$0x3F98];
	s0 =	simm.s32 @p0 $0x1  }
0x13: {  	[smem:$0x3FB3] =	sst s0;
	s0 =	simm.s32 @!p1 $0x0  }
0x14: {  	s2 =	sld [smem:$0x3F97];
	s0 =	simm.s32 @p1 $0x1  }
0x15: {  	[smem:$0x3FB4] =	sst s0;
	s0 =	simm.s32 @!p2 $0x0  }
0x16: {  	s3 =	sld [smem:$0x3FDB];
	s0 =	simm.s32 @p2 $0x1  }
0x17: {  	s4 =	simm.s32 $0x1BF5;
	[smem:$0x3FB6] =	sst s0  }
0x18: {  	s0 =	sld [smem:$0x3F99];
	_ =	swait.ge [sflag:s4], $0x0  }
0x19: {  	s7 =	sld [smem:$0x3F9A]  }
0x1a: {  	s8 =	sadd.s32 $0xFFFFE003, lr  }
0x1b: {  	s9 =	sadd.s32 $0xFFFFFEF7, lr;
	s5 =	simm.s32 $0xFFFFFFFF;
	p2 =	slt.u32 s8, $0xFFFFF086  }
0x1c: {  	p1 =	slt.u32 s9, $0xF7A;
	s5 =	simm.s32 @!p2 $0x0  }
0x1d: {  	s5 =	simm.s32 @p1 $0x1;
	p0 =	seq.s32 s7, s2  }
0x1e: {  	s7 =	smul.u32 @!p0 $0xF7A, s2;
	p2 =	seq.s32 @!p0 s5, $0x0  }
0x1f: {  	s9 =	smul.u32 $0xF7A, s1;
	s8 =	simm.s32 @!p0 $0x1BF5;
	p2 =	por !p2, p0  }
0x20: {  	[sflag:s8] =	ssyncset.s32 @!p0 $0xFFFFF086;
	s6 =	sadd.s32 @!p0 s3, s7;
	s7 =	simm.s32 @!p0 $0x108  }
0x21: {  	s3 =	sadd.s32 s3, s9;
	s6 =	sadd.s32 @!p0 $0x88, s6;
	s7 =	simm.s32 @p2 $0x1082  }
0x22: {  	[simem:s7], [sflag:s8] =	dma.local @!p0 [hbm:s6], $0xF7A  }
0x23: {  	s9 =	sor.u32 $0xD0000000, s2;
	s6 =	simm.s32 $0x108;
	_ =	swait.ge @!p0 [sflag:s8], $0x0  }
0x24: {  	s3 =	sadd.s32 $0x88, s3;
	s6 =	simm.s32 @!p1 $0x1082;
	[sflag:s4] =	ssyncset.s32 $0xFFFFF086  }
0x25: {  	[simem:s6], [sflag:s4] =	dma.local [hbm:s3], $0xF7A  }
0x26: {  	[smem:$0x3F9A] =	sst s1;
	(tag) =	ssettag s2;
	_ =	strace s9  }
0x27: {  	s1 =	sld [smem:$0x3FAA]  }
0x28: {  	s2 =	sld [smem:$0x3FAB]  }
0x29: {  	s4 =	sld [smem:$0x3FAD]  }
0x2a: {  	p0 =	seq.s32 s5, $0x0;
	s5 =	sld [smem:$0x3FAE]  }
0x2b: {  	s6 =	sld [smem:$0x3FAF]  }
0x2c: {  	s7 =	sld [smem:$0x3FB0]  }
0x2d: {  	s3 =	simm.s32 $0x108;
	s8 =	sld [smem:$0x3FB1]  }
0x2e: {  	s3 =	simm.s32 @!p0 $0x1082;
	s9 =	sld [smem:$0x3FB2]  }
0x2f: {  	lr =	sadd.s32 s0, s3;
	s0 =	sld [smem:$0x3FA9]  }
0x30: {  	s3 =	sld [smem:$0x3FAC]  }
0x31: {  	[smem:$0x3FB5] =	sst s10  }
0x32: {  	s10 =	sld [smem:$0x3FB3];
	_ =	sdelay $0x3  }
0x33: {  	p0 =	seq.s32 s10, $0x1;
	s10 =	sld [smem:$0x3FB5];
	_ =	sdelay $0x3  }
0x34: {  	[smem:$0x3FB5] =	sst s10  }
0x35: {  	s10 =	sld [smem:$0x3FB4];
	_ =	sdelay $0x3  }
0x36: {  	p1 =	seq.s32 s10, $0x1;
	s10 =	sld [smem:$0x3FB5];
	_ =	sdelay $0x3  }
0x37: {  	[smem:$0x3FB5] =	sst s10  }
0x38: {  	s10 =	sld [smem:$0x3FB6]  }
0x39: {  	_ = 	snop;
	(pc) =	sbr.ind lr, $3  }
0x3a: {  	_ = 	snop  }
0x3b: {  	_ = 	snop  }
0x3c: {  	p2 =	seq.s32 s10, $0x1;
	s10 =	sld [smem:$0x3FB5]  }
0x3d: {  	_ =	shalt  }
0x3e: {  	_ =	shalt  }
0x3f: {  	_ =	shalt  }
0x40: {  	_ =	shalt  }
0x41: {  	_ =	shalt  }
0x42: {  	_ =	shalt  }
0x43: {  	_ =	shalt  }
0x44: {  	_ =	shalt  }
0x45: {  	_ =	shalt  }
0x46: {  	_ =	shalt  }
0x47: {  	_ =	shalt  }
0x48: {  	_ =	shalt  }
0x49: {  	_ =	shalt  }
0x4a: {  	_ =	shalt  }
0x4b: {  	_ =	shalt  }
0x4c: {  	_ =	shalt  }
0x4d: {  	_ =	shalt  }
0x4e: {  	_ =	shalt  }
0x4f: {  	_ =	shalt  }
0x50: {  	_ =	shalt  }
0x51: {  	_ =	shalt  }
0x52: {  	_ =	shalt  }
0x53: {  	_ =	shalt  }
0x54: {  	_ =	shalt  }
0x55: {  	_ =	shalt  }
0x56: {  	_ =	shalt  }
0x57: {  	_ =	shalt  }
0x58: {  	_ =	shalt  }
0x59: {  	_ =	shalt  }
0x5a: {  	_ =	shalt  }
0x5b: {  	_ =	shalt  }
0x5c: {  	_ =	shalt  }
0x5d: {  	_ =	shalt  }
0x5e: {  	_ =	shalt  }
0x5f: {  	_ =	shalt  }
0x60: {  	_ =	shalt  }
0x61: {  	_ =	shalt  }
0x62: {  	_ =	shalt  }
0x63: {  	_ =	shalt  }
0x64: {  	_ =	shalt  }
0x65: {  	_ =	shalt  }
0x66: {  	_ =	shalt  }
0x67: {  	_ =	shalt  }
0x68: {  	_ =	shalt  }
0x69: {  	_ =	shalt  }
0x6a: {  	_ =	shalt  }
0x6b: {  	_ =	shalt  }
0x6c: {  	_ =	shalt  }
0x6d: {  	_ =	shalt  }
0x6e: {  	_ =	shalt  }
0x6f: {  	_ =	shalt  }
0x70: {  	_ =	shalt  }
0x71: {  	_ =	shalt  }
0x72: {  	_ =	shalt  }
0x73: {  	_ =	shalt  }
0x74: {  	_ =	shalt  }
0x75: {  	_ =	shalt  }
0x76: {  	_ =	shalt  }
0x77: {  	_ =	shalt  }
0x78: {  	_ =	shalt  }
0x79: {  	_ =	shalt  }
0x7a: {  	_ =	shalt  }
0x7b: {  	_ =	shalt  }
0x7c: {  	_ =	shalt  }
0x7d: {  	_ =	shalt  }
0x7e: {  	_ =	shalt  }
0x7f: {  	_ =	shalt  }
0x80: {  	_ =	shalt  }
0x81: {  	_ =	shalt  }
0x82: {  	_ =	shalt  }
0x83: {  	_ =	shalt  }
0x84: {  	_ =	shalt  }
0x85: {  	_ =	shalt  }
0x86: {  	_ =	shalt  }
0x87: {  	_ =	shalt  }
.Lfunc_end0:
.L_simem_size_0:
called_computation_lowered:
.L_overlay_start_0:
0x88: {  	s2 =	sld [smem:$0x3FD9]  }
0x89: {  	s3 =	sld [smem:$0x3FFE];
	_ =	sdelay $0x1  }
0x8a: {  	s1 =	srdreg.scid  }
0x8b: {  	s0 =	sand.u32 $0x1, s1  }
0x8c: {  	s17 =	sshll.u32 s0, $0xA;
	s2 =	sadd.s32 s3, s2  }
0x8d: {  	s2 =	sadd.s32 s2, s17  }
0x8e: {  	[smem:$0x3FC1] =	sst s2  }
0x8f: {  	_ = 	snop  }
0x90: {  	s2 =	sld [smem:$0x3FC9]  }
0x91: {  	s18 =	sld [smem:$0x3FC8]  }
0x92: {  	s4 =	sld [smem:$0x3FC5]  }
0x93: {  	s5 =	sld [smem:$0x3FC4]  }
0x94: {  	s6 =	sld [smem:$0x3FC3]  }
0x95: {  	s7 =	sld [smem:$0x3FD0];
	(tm) =	ssettm $0x1  }
0x96: {  	s8 =	sld [smem:$0x3FFB];
	_ =	sdelay $0x3  }
0x97: {  	_ =	strace s8  }
0x98: {  	s8 =	sld [smem:$0x3FFC];
	_ =	sdelay $0x3  }
0x99: {  	_ =	strace s8  }
0x9a: {  	s8 =	sld [smem:$0x3FFD];
	_ =	sdelay $0x3  }
0x9b: {  	_ =	strace s8  }
0x9c: {  	_ =	strace $0x8FFFFFFF  }
0x9d: {  	s19 =	sld [smem:$0x3FDB];
	_ =	sdelay $0x1  }
0x9e: {  	s9 =	simm.s32 $_scs_section_size  }
0x9f: {  	s10 =	simm.s32 $_size__tile_overlayer_lowered;
	s11 =	simm.s32 $_tile_overlayer_lowered  }
0xa0: {  	s22 =	simm.s32 $0x1BFF;
	s21 =	sshll.u32 s11, $0x1;
	s8 =	sadd.s32 s9, s19  }
0xa1: {  	s12 =	simm.s32 $0x0;
	s20 =	sshll.u32 s10, $0x1;
	s10 =	sadd.s32 s21, s8  }
0xa2: {  	[timem:s12], [sflag:s22] =	dma.local [hbm:s10], s20  }
0xa3: {  	_ =	swait.ge [sflag:s22], s20  }
0xa4: {  	s9 =	ssub.s32 $0x0, s20;
	[sflag:s22] =	ssyncset.done $0x0  }
0xa5: {  	[sflag:s22] =	ssyncadd.s32 s9;
	_ =	sdelay $0x1  }
0xa6: {  	s23 =	simm.s32 $0x1B8B  }
0xa7: {  	_ =	swait.ge [sflag:s23], $0x1  }
0xa8: {  	[sflag:s23] =	ssyncset.done $0x0  }
0xa9: {  	s25 =	simm.s32 $0x1B8E;
	s24 =	sld [smem:$0x3FFE];
	[sflag:s23] =	ssyncadd.s32 $0xFFFFFFFF  }
0xaa: {  	s26 =	simm.s32 $execute0_lowered;
	[smem:$0x3FD2] =	sst s25  }
0xab: {  	s10 =	sshll.u32 s26, $0x1;
	_ =	strace $0x80000046;
	[dreg:$0x1] =	wrdreg $0xFFFFFFFF  }
0xac: {  	s28 =	simm.s32 $_size_execute0_lowered;
	s8 =	sadd.s32 s8, s10;
	[dreg:$0x0] =	wrdreg $0x0  }
0xad: {  	s10 =	sshll.u32 s28, $0x1;
	[dreg:$0x2] =	wrdreg s8  }
0xae: {  	[dreg:$0x3] =	wrdreg s10  }
0xaf: {  	[dreg:$0x4] =	wrdreg $0xC0  }
0xb0: {  	_ =	task [dreg:s12], $0x5FFFF  }
0xb1: {  	[dreg:$0x1] =	wrdreg $0xFFFFFFFF  }
0xb2: {  	[dreg:$0x0] =	wrdreg $0x60  }
0xb3: {  	[dreg:$0x2] =	wrdreg s2  }
0xb4: {  	[dreg:$0x3] =	wrdreg s18  }
0xb5: {  	[dreg:$0x4] =	wrdreg s24  }
0xb6: {  	[dreg:$0x5] =	wrdreg s4  }
0xb7: {  	[dreg:$0x6] =	wrdreg s5  }
0xb8: {  	[dreg:$0x7] =	wrdreg s6  }
0xb9: {  	[dreg:$0x8] =	wrdreg s7  }
0xba: {  	[dreg:$0x9] =	wrdreg $0x9  }
0xbb: {  	_ =	task.clear_ibuf [dreg:s12], $0xAFFFF;
	_ =	strace $0x90000046  }
0xbc: {  	s29 =	simm.s32 $0x9;
	_ =	strace $0x80000048  }
0xbd: {  	_ =	swait.ge [sflag:s29], $0x1  }
0xbe: {  	[sflag:s29] =	ssyncadd.s32 $0xFFFFFFFF  }
0xbf: {  	_ =	strace $0x90000048  }
0xc0: {  	_ =	sfence  }
0xc1: {  	s30 =	sld [smem:$0x0];
	_ =	sdelay $0x2  }
0xc2: {  	s31 =	sshll.u32 s1, $0xD;
	s1 =	sshrl.u32 s1, $0x2  }
0xc3: {  	s3 =	sand.u32 $0x4000, s31;
	s1 =	sadd.s32 s1, s30  }
0xc4: {  	s0 =	sor.u32 s3, s0;
	s1 =	sshll.u32 s1, $0x11  }
0xc5: {  	s0 =	sor.u32 s1, s0  }
0xc6: {  	s0 =	sadd.s32 $0x8F2B, s0  }
0xc7: {  	[sflag:s0] =	ssyncadd.remote.s32 $0x1  }
0xc8: {  	_ =	sfence.sel $0xFFFF  }
0xc9: {  	[dreg:$0x0] =	wrdreg $0xFFFFFFFF;
	(pc) =	sbr.abs _section_cstart, $3  }
0xca: {  	[dreg:$0x1] =	wrdreg $0xFFFFFFFF  }
0xcb: {  	_ =	task.clear_ibuf [dreg:s12], $0x2FFFF;
	_ =	strace $0x9FFFFFFF  }
0xcc: {  	(tm) =	ssettm $0x7FFFFFFF  }
0xcd: {  	_ =	shalt  }
tec
execute0_lowered:
.L_overlay_start_1:
0x0: {  	(tag) =	ssettag $0x1  }
0x1: {  	s0 =	rddreg [dreg:$0x0]  }
0x2: {  	s3 =	rddreg [dreg:$0x1]  }
0x3: {  	s5 =	rddreg [dreg:$0x2]  }
0x4: {  	s1 =	rddreg [dreg:$0x3]  }
0x5: {  	s2 =	rddreg [dreg:$0x4]  }
0x6: {  	s10 =	rddreg [dreg:$0x6]  }
0x7: {  	s4 =	simm.s32 $0x0;
	s6 =	srdreg.scid;
	s11 =	stileid.u32  }
0x8: {  	s13 =	simm.s32 $0x200;
	s15 =	simm.s32 $0x80;
	s16 =	simm.s32 $0x400  }
0x9: {  	s17 =	simm.s32 $0x4400;
	s19 =	simm.s32 $0x280;
	s23 =	simm.s32 $0x100  }
0xa: {  	s25 =	simm.s32 $0x300;
	s30 =	simm.s32 $0x180;
	s14 =	simm.s32 $0x8780  }
0xb: {  	s18 =	simm.s32 $0x1;
	s20 =	simm.s32 $0x2;
	s21 =	simm.s32 $0x3  }
0xc: {  	s22 =	simm.s32 $0x4;
	s24 =	simm.s32 $0x8810;
	s26 =	simm.s32 $0x0  }
0xd: {  	[smem:$0x7FF] =	sst s4;
	s7 =	sand.u32 $0x1, s6;
	s6 =	sadd.s32 $0xF42A00, s5  }
0xe: {  	s11 =	sshll.u32 s11, $0x7;
	_ =	strace $0x80000047;
	s8 =	ssub.s32 $0x2, s7  }
0xf: {  	s12 =	sshll.u32 s7, $0x6;
	s7 =	sadd.s32 $0x187000, s5;
	s9 =	sshrl.u32 s8, $0x1  }
0x10: {  	v0 =	vlaneseq.u32;
	s11 =	sor.u32 s12, s11;
	s12 =	simm.s32 $0x5;
	s31 =	ssub.s32 s8, s9  }
0x11: {  	v0 =	vmul.u32 $0x20, v0;
	s8 =	sadd.s32 s0, s11;
	s9 =	sadd.s32 s3, s11;
	s10 =	sadd.s32 s10, s11  }
0x12: {  	s0 =	simm.s32 $0x380;
	s3 =	simm.s32 $0x8580;
	s11 =	smax.u32 s31, $0x1  }
.LBB2_1:
0x13: {  	[tilespmem:s4], [sflag:$0x5] =	stream.linear.gather [hbm4b:s8+s4], $0x200, $0x38;
	[tilespmem:$0x8A10] =	vst v63  }
0x14: {  	_ =	swait.ge [sflag:s12], $0x200  }
0x15: {  	[sflag:s12] =	ssyncset.done $0x0  }
0x16: {  	[sflag:s12] =	ssyncadd.s32 $0xFFFFFE00  }
0x17: {  	[tilespmem:s13], [sflag:$0x5] =	stream.linear.gather [hbm4b:s9+s4], $0x200, $0x38;
	[tilespmem:$0x8A10] =	vst v63  }
0x18: {  	_ =	swait.ge [sflag:s12], $0x200  }
0x19: {  	[sflag:s12] =	ssyncset.done $0x0  }
0x1a: {  	[sflag:s12] =	ssyncadd.s32 $0xFFFFFE00  }
0x1b: {  	s28 =	simm.s32 $0x8800;
	s5 =	rddreg [dreg:$0x5]  }
0x1c: {  	[tilespmem:s28], [sflag:$0x5] =	stream.linear.gather [hbm4b:s5+s4], $0x10, $0x38;
	[tilespmem:$0x8A10] =	vst v63  }
0x1d: {  	_ =	swait.ge [sflag:s12], $0x10  }
0x1e: {  	[sflag:s12] =	ssyncset.done $0x0  }
0x1f: {  	[sflag:s12] =	ssyncadd.s32 $0xFFFFFFF0  }
0x20: {  	[tilespmem:s16], [sflag:$0x1] =	stream.indirect.gather [hbm4b:s6+s15], $0x20, s4, s15, $0xb8;
	[tilespmem:$0x8A10] =	vst v63  }
0x21: {  	_ = 	snop  }
0x22: {  	[tilespmem:s17], [sflag:$0x2] =	stream.indirect.gather [hbm4b:s7+s15], $0x20, s13, s15, $0xb8;
	[tilespmem:$0x8A10] =	vst v63  }
0x23: {  	s28 =	simm.s32 $0x8400  }
0x24: {  	[tilespmem:s28], [sflag:$0x3] =	stream.indirect.gather [hbm4b:s1+s15], $0x1, s4, s15, $0xb8;
	[tilespmem:$0x8A10] =	vst v63  }
0x25: {  	s5 =	simm.s32 $0x8600  }
0x26: {  	[tilespmem:s5], [sflag:$0x4] =	stream.indirect.gather [hbm4b:s2+s15], $0x1, s13, s15, $0xb8;
	[tilespmem:$0x8A10] =	vst v63  }
0x27: {  	s29 =	simm.s32 $0x1400  }
0x28: {  	[tilespmem:s29], [sflag:$0x1] =	stream.indirect.gather [hbm4b:s6+s15], $0x20, s15, s15, $0xb8;
	[tilespmem:$0x8A10] =	vst v63  }
0x29: {  	s29 =	simm.s32 $0x5400  }
0x2a: {  	[tilespmem:s29], [sflag:$0x2] =	stream.indirect.gather [hbm4b:s7+s15], $0x20, s19, s15, $0xb8;
	[tilespmem:$0x8A10] =	vst v63  }
0x2b: {  	s29 =	simm.s32 $0x8480  }
0x2c: {  	[tilespmem:s29], [sflag:$0x3] =	stream.indirect.gather [hbm4b:s1+s15], $0x1, s15, s15, $0xb8;
	[tilespmem:$0x8A10] =	vst v63  }
0x2d: {  	s29 =	simm.s32 $0x8680  }
0x2e: {  	[tilespmem:s29], [sflag:$0x4] =	stream.indirect.gather [hbm4b:s2+s15], $0x1, s19, s15, $0xb8;
	[tilespmem:$0x8A10] =	vst v63  }
0x2f: {  	s29 =	simm.s32 $0x2400  }
0x30: {  	[tilespmem:s29], [sflag:$0x1] =	stream.indirect.gather [hbm4b:s6+s15], $0x20, s23, s15, $0xb8;
	[tilespmem:$0x8A10] =	vst v63  }
0x31: {  	s29 =	simm.s32 $0x6400  }
0x32: {  	[tilespmem:s29], [sflag:$0x2] =	stream.indirect.gather [hbm4b:s7+s15], $0x20, s25, s15, $0xb8;
	[tilespmem:$0x8A10] =	vst v63  }
0x33: {  	s29 =	simm.s32 $0x8500  }
0x34: {  	[tilespmem:s29], [sflag:$0x3] =	stream.indirect.gather [hbm4b:s1+s15], $0x1, s23, s15, $0xb8;
	[tilespmem:$0x8A10] =	vst v63  }
0x35: {  	s29 =	simm.s32 $0x8700  }
0x36: {  	[tilespmem:s29], [sflag:$0x4] =	stream.indirect.gather [hbm4b:s2+s15], $0x1, s25, s15, $0xb8;
	[tilespmem:$0x8A10] =	vst v63  }
0x37: {  	s29 =	simm.s32 $0x3400  }
0x38: {  	[tilespmem:s29], [sflag:$0x1] =	stream.indirect.gather [hbm4b:s6+s15], $0x20, s30, s15, $0xb8;
	[tilespmem:$0x8A10] =	vst v63  }
0x39: {  	s29 =	simm.s32 $0x7400  }
0x3a: {  	[tilespmem:s29], [sflag:$0x2] =	stream.indirect.gather [hbm4b:s7+s15], $0x20, s0, s15, $0xb8;
	[tilespmem:$0x8A10] =	vst v63  }
0x3b: {  	_ = 	snop  }
0x3c: {  	[tilespmem:s3], [sflag:$0x3] =	stream.indirect.gather [hbm4b:s1+s15], $0x1, s30, s15, $0xb8;
	[tilespmem:$0x8A10] =	vst v63  }
0x3d: {  	_ = 	snop  }
0x3e: {  	[tilespmem:s14], [sflag:$0x4] =	stream.indirect.gather [hbm4b:s2+s15], $0x1, s0, s15, $0xb8;
	[tilespmem:$0x8A10] =	vst v63  }
0x3f: {  	_ =	swait.ge [sflag:s18], $0x1000  }
0x40: {  	[sflag:s18] =	ssyncset.done $0x0  }
0x41: {  	[sflag:s18] =	ssyncadd.s32 $0xFFFFF000  }
0x42: {  	_ =	swait.ge [sflag:s20], $0x1000  }
0x43: {  	[sflag:s20] =	ssyncset.done $0x0  }
0x44: {  	[sflag:s20] =	ssyncadd.s32 $0xFFFFF000  }
0x45: {  	_ =	swait.ge [sflag:s21], $0x80  }
0x46: {  	[sflag:s21] =	ssyncset.done $0x0  }
0x47: {  	[sflag:s21] =	ssyncadd.s32 $0xFFFFFF80  }
0x48: {  	_ =	swait.ge [sflag:s22], $0x80  }
0x49: {  	[sflag:s22] =	ssyncset.done $0x0  }
0x4a: {  	[sflag:s22] =	ssyncadd.s32 $0xFFFFFF80  }
0x4b: {  	_ =	swait.ge [sflag:s18], $0x1000  }
0x4c: {  	[sflag:s18] =	ssyncset.done $0x0  }
0x4d: {  	[sflag:s18] =	ssyncadd.s32 $0xFFFFF000  }
0x4e: {  	_ =	swait.ge [sflag:s20], $0x1000  }
0x4f: {  	[sflag:s20] =	ssyncset.done $0x0  }
0x50: {  	[sflag:s20] =	ssyncadd.s32 $0xFFFFF000  }
0x51: {  	_ =	swait.ge [sflag:s21], $0x80  }
0x52: {  	[sflag:s21] =	ssyncset.done $0x0  }
0x53: {  	[sflag:s21] =	ssyncadd.s32 $0xFFFFFF80  }
0x54: {  	_ =	swait.ge [sflag:s22], $0x80  }
0x55: {  	[sflag:s22] =	ssyncset.done $0x0  }
0x56: {  	[sflag:s22] =	ssyncadd.s32 $0xFFFFFF80  }
0x57: {  	_ =	swait.ge [sflag:s18], $0x1000  }
0x58: {  	[sflag:s18] =	ssyncset.done $0x0  }
0x59: {  	[sflag:s18] =	ssyncadd.s32 $0xFFFFF000  }
0x5a: {  	_ =	swait.ge [sflag:s20], $0x1000  }
0x5b: {  	[sflag:s20] =	ssyncset.done $0x0  }
0x5c: {  	[sflag:s20] =	ssyncadd.s32 $0xFFFFF000  }
0x5d: {  	_ =	swait.ge [sflag:s21], $0x80  }
0x5e: {  	[sflag:s21] =	ssyncset.done $0x0  }
0x5f: {  	[sflag:s21] =	ssyncadd.s32 $0xFFFFFF80  }
0x60: {  	_ =	swait.ge [sflag:s22], $0x80  }
0x61: {  	[sflag:s22] =	ssyncset.done $0x0  }
0x62: {  	[sflag:s22] =	ssyncadd.s32 $0xFFFFFF80  }
0x63: {  	_ =	swait.ge [sflag:s18], $0x1000  }
0x64: {  	[sflag:s18] =	ssyncset.done $0x0  }
0x65: {  	[sflag:s18] =	ssyncadd.s32 $0xFFFFF000  }
0x66: {  	_ =	swait.ge [sflag:s20], $0x1000  }
0x67: {  	[sflag:s20] =	ssyncset.done $0x0  }
0x68: {  	v1 =	vmov s4;
	[sflag:s20] =	ssyncadd.s32 $0xFFFFF000  }
0x69: {  	v1 =	vshll.u32 v1, $0x5;
	_ =	swait.ge [sflag:s21], $0x80  }
0x6a: {  	v1 =	vor.u32 v0, v1;
	[sflag:s21] =	ssyncset.done $0x0  }
0x6b: {  	[sflag:s21] =	ssyncadd.s32 $0xFFFFFF80  }
0x6c: {  	v2 =	vor.u32 $0x1, v1;
	_ =	swait.ge [sflag:s22], $0x80  }
0x6d: {  	[sflag:s22] =	ssyncset.done $0x0  }
0x6e: {  	v3 =	vor.u32 $0x2, v1;
	[sflag:s22] =	ssyncadd.s32 $0xFFFFFF80  }
0x6f: {  	v4 =	vld.idx.msk [tilespmem:v1+s17+$0x0], $0xffff  }
0x70: {  	v6 =	vor.u32 $0x3, v1;
	v5 =	vld.idx.msk [tilespmem:v1+s16+$0x0], $0xffff  }
0x71: {  	v7 =	vld.idx.msk [tilespmem:v2+s16+$0x0], $0xffff  }
0x72: {  	v8 =	vor.u32 $0x4, v1;
	v2 =	vld.idx.msk [tilespmem:v2+s17+$0x0], $0xffff  }
0x73: {  	v9 =	vld.idx.msk [tilespmem:v3+s16+$0x0], $0xffff  }
0x74: {  	v10 =	vor.u32 $0x5, v1;
	v3 =	vld.idx.msk [tilespmem:v3+s17+$0x0], $0xffff  }
0x75: {  	v11 =	vld.idx.msk [tilespmem:v6+s16+$0x0], $0xffff;
	v4 =	vmul.f32 v4, v5  }
0x76: {  	v5 =	vld.idx.msk [tilespmem:v6+s17+$0x0], $0xffff;
	v6 =	vor.u32 $0x6, v1  }
0x77: {  	v12 =	vld.idx.msk [tilespmem:v8+s16+$0x0], $0xffff;
	v2 =	vmul.f32 v2, v7;
	v4 =	vadd.f32 $0.0e+00, v4  }
0x78: {  	v63 =	vor.u32 $0x7, v1;
	v7 =	vld.idx.msk [tilespmem:v8+s17+$0x0], $0xffff  }
0x79: {  	v13 =	vld.idx.msk [tilespmem:v10+s16+$0x0], $0xffff;
	v3 =	vmul.f32 v3, v9;
	v2 =	vadd.f32 v2, v4  }
0x7a: {  	v16 =	vor.u32 $0x8, v1;
	v4 =	vld.idx.msk [tilespmem:v10+s17+$0x0], $0xffff  }
0x7b: {  	v17 =	vld.idx.msk [tilespmem:v6+s16+$0x0], $0xffff;
	v2 =	vadd.f32 v3, v2;
	v3 =	vmul.f32 v5, v11  }
0x7c: {  	v5 =	vld.idx.msk [tilespmem:v6+s17+$0x0], $0xffff;
	v6 =	vor.u32 $0x9, v1  }
0x7d: {  	v18 =	vld.idx.msk [tilespmem:v63+s16+$0x0], $0xffff;
	v2 =	vadd.f32 v3, v2;
	v3 =	vmul.f32 v7, v12  }
0x7e: {  	v19 =	vor.u32 $0xA, v1;
	v7 =	vld.idx.msk [tilespmem:v63+s17+$0x0], $0xffff  }
0x7f: {  	v20 =	vld.idx.msk [tilespmem:v16+s16+$0x0], $0xffff;
	v2 =	vadd.f32 v3, v2;
	v3 =	vmul.f32 v4, v13  }
0x80: {  	v21 =	vor.u32 $0xB, v1;
	v4 =	vld.idx.msk [tilespmem:v16+s17+$0x0], $0xffff  }
0x81: {  	v22 =	vld.idx.msk [tilespmem:v6+s16+$0x0], $0xffff;
	v2 =	vadd.f32 v3, v2;
	v3 =	vmul.f32 v5, v17  }
0x82: {  	v5 =	vld.idx.msk [tilespmem:v6+s17+$0x0], $0xffff;
	v6 =	vor.u32 $0xC, v1  }
0x83: {  	v23 =	vld.idx.msk [tilespmem:v19+s16+$0x0], $0xffff;
	v2 =	vadd.f32 v3, v2;
	v3 =	vmul.f32 v7, v18  }
0x84: {  	v24 =	vor.u32 $0xD, v1;
	v7 =	vld.idx.msk [tilespmem:v19+s17+$0x0], $0xffff  }
0x85: {  	v25 =	vld.idx.msk [tilespmem:v21+s16+$0x0], $0xffff;
	v2 =	vadd.f32 v3, v2;
	v3 =	vmul.f32 v4, v20  }
0x86: {  	v26 =	vor.u32 $0xE, v1;
	v4 =	vld.idx.msk [tilespmem:v21+s17+$0x0], $0xffff  }
0x87: {  	v27 =	vld.idx.msk [tilespmem:v6+s16+$0x0], $0xffff;
	v2 =	vadd.f32 v3, v2;
	v3 =	vmul.f32 v5, v22  }
0x88: {  	v5 =	vld.idx.msk [tilespmem:v6+s17+$0x0], $0xffff;
	v6 =	vor.u32 $0xF, v1  }
0x89: {  	v28 =	vld.idx.msk [tilespmem:v24+s16+$0x0], $0xffff;
	v2 =	vadd.f32 v3, v2;
	v3 =	vmul.f32 v7, v23  }
0x8a: {  	v29 =	vor.u32 $0x10, v1;
	v7 =	vld.idx.msk [tilespmem:v24+s17+$0x0], $0xffff  }
0x8b: {  	v30 =	vld.idx.msk [tilespmem:v26+s16+$0x0], $0xffff;
	v2 =	vadd.f32 v3, v2;
	v3 =	vmul.f32 v4, v25  }
0x8c: {  	v31 =	vor.u32 $0x11, v1;
	v4 =	vld.idx.msk [tilespmem:v26+s17+$0x0], $0xffff  }
0x8d: {  	v32 =	vld.idx.msk [tilespmem:v6+s16+$0x0], $0xffff;
	v2 =	vadd.f32 v3, v2;
	v3 =	vmul.f32 v5, v27  }
0x8e: {  	v5 =	vld.idx.msk [tilespmem:v6+s17+$0x0], $0xffff;
	v6 =	vor.u32 $0x12, v1  }
0x8f: {  	v33 =	vld.idx.msk [tilespmem:v29+s16+$0x0], $0xffff;
	v2 =	vadd.f32 v3, v2;
	v3 =	vmul.f32 v7, v28  }
0x90: {  	v34 =	vor.u32 $0x13, v1;
	v7 =	vld.idx.msk [tilespmem:v29+s17+$0x0], $0xffff  }
0x91: {  	v35 =	vld.idx.msk [tilespmem:v31+s16+$0x0], $0xffff;
	v2 =	vadd.f32 v3, v2;
	v3 =	vmul.f32 v4, v30  }
0x92: {  	v36 =	vor.u32 $0x14, v1;
	v4 =	vld.idx.msk [tilespmem:v31+s17+$0x0], $0xffff  }
0x93: {  	v37 =	vld.idx.msk [tilespmem:v6+s16+$0x0], $0xffff;
	v2 =	vadd.f32 v3, v2;
	v3 =	vmul.f32 v5, v32  }
0x94: {  	v5 =	vld.idx.msk [tilespmem:v6+s17+$0x0], $0xffff;
	v6 =	vor.u32 $0x15, v1  }
0x95: {  	v38 =	vld.idx.msk [tilespmem:v34+s16+$0x0], $0xffff;
	v2 =	vadd.f32 v3, v2;
	v3 =	vmul.f32 v7, v33  }
0x96: {  	v39 =	vor.u32 $0x16, v1;
	v7 =	vld.idx.msk [tilespmem:v34+s17+$0x0], $0xffff  }
0x97: {  	v40 =	vld.idx.msk [tilespmem:v36+s16+$0x0], $0xffff;
	v2 =	vadd.f32 v3, v2;
	v3 =	vmul.f32 v4, v35  }
0x98: {  	v41 =	vor.u32 $0x17, v1;
	v4 =	vld.idx.msk [tilespmem:v36+s17+$0x0], $0xffff  }
0x99: {  	v42 =	vld.idx.msk [tilespmem:v6+s16+$0x0], $0xffff;
	v2 =	vadd.f32 v3, v2;
	v3 =	vmul.f32 v5, v37  }
0x9a: {  	v5 =	vld.idx.msk [tilespmem:v6+s17+$0x0], $0xffff;
	v6 =	vor.u32 $0x18, v1  }
0x9b: {  	v43 =	vld.idx.msk [tilespmem:v39+s16+$0x0], $0xffff;
	v2 =	vadd.f32 v3, v2;
	v3 =	vmul.f32 v7, v38  }
0x9c: {  	v44 =	vor.u32 $0x19, v1;
	v7 =	vld.idx.msk [tilespmem:v39+s17+$0x0], $0xffff  }
0x9d: {  	v45 =	vld.idx.msk [tilespmem:v41+s16+$0x0], $0xffff;
	v2 =	vadd.f32 v3, v2;
	v3 =	vmul.f32 v4, v40  }
0x9e: {  	v46 =	vor.u32 $0x1A, v1;
	v4 =	vld.idx.msk [tilespmem:v41+s17+$0x0], $0xffff  }
0x9f: {  	v47 =	vld.idx.msk [tilespmem:v6+s16+$0x0], $0xffff;
	v2 =	vadd.f32 v3, v2;
	v3 =	vmul.f32 v5, v42  }
0xa0: {  	v5 =	vld.idx.msk [tilespmem:v6+s17+$0x0], $0xffff;
	v6 =	vor.u32 $0x1B, v1  }
0xa1: {  	v48 =	vld.idx.msk [tilespmem:v44+s16+$0x0], $0xffff;
	v2 =	vadd.f32 v3, v2;
	v3 =	vmul.f32 v7, v43  }
0xa2: {  	v49 =	vor.u32 $0x1C, v1;
	v7 =	vld.idx.msk [tilespmem:v44+s17+$0x0], $0xffff  }
0xa3: {  	v50 =	vld.idx.msk [tilespmem:v46+s16+$0x0], $0xffff;
	v2 =	vadd.f32 v3, v2;
	v3 =	vmul.f32 v4, v45  }
0xa4: {  	v51 =	vor.u32 $0x1D, v1;
	v4 =	vld.idx.msk [tilespmem:v46+s17+$0x0], $0xffff  }
0xa5: {  	v52 =	vld.idx.msk [tilespmem:v6+s16+$0x0], $0xffff;
	v2 =	vadd.f32 v3, v2;
	v3 =	vmul.f32 v5, v47  }
0xa6: {  	v5 =	vld.idx.msk [tilespmem:v6+s17+$0x0], $0xffff;
	v6 =	vor.u32 $0x1E, v1  }
0xa7: {  	v53 =	vld.idx.msk [tilespmem:v49+s16+$0x0], $0xffff;
	v2 =	vadd.f32 v3, v2;
	v3 =	vmul.f32 v7, v48  }
0xa8: {  	v1 =	vor.u32 $0x1F, v1;
	v7 =	vld.idx.msk [tilespmem:v49+s17+$0x0], $0xffff  }
0xa9: {  	v54 =	vld.idx.msk [tilespmem:v51+s16+$0x0], $0xffff;
	v2 =	vadd.f32 v3, v2;
	v3 =	vmul.f32 v4, v50  }
0xaa: {  	v4 =	vld.idx.msk [tilespmem:v51+s17+$0x0], $0xffff  }
0xab: {  	v55 =	vld.idx.msk [tilespmem:v6+s16+$0x0], $0xffff;
	v2 =	vadd.f32 v3, v2;
	v3 =	vmul.f32 v5, v52  }
0xac: {  	v5 =	vld.idx.msk [tilespmem:v6+s17+$0x0], $0xffff  }
0xad: {  	v6 =	vld.idx.msk [tilespmem:v1+s16+$0x0], $0xffff;
	v2 =	vadd.f32 v3, v2;
	v3 =	vmul.f32 v7, v53  }
0xae: {  	v1 =	vld.idx.msk [tilespmem:v1+s17+$0x0], $0xffff  }
0xaf: {  	v2 =	vadd.f32 v3, v2;
	v3 =	vmul.f32 v4, v54;
	_ =	sdelay $0x1  }
0xb0: {  	v2 =	vadd.f32 v3, v2;
	v3 =	vmul.f32 v5, v55  }
0xb1: {  	v4 =	vld [tilespmem:s28+$0x0]  }
0xb2: {  	v1 =	vmul.f32 v1, v6;
	v2 =	vadd.f32 v3, v2  }
0xb3: {  	v3 =	vld [tilespmem:s5+$0x0]  }
0xb4: {  	v2 =	vadd.f32 v1, v2  }
0xb5: {  	s5 =	simm.s32 $0x10;
	v1 =	vld [tilespmem:$0x8800]  }
0xb6: {  	v5 =	vmov s5;
	v4 =	vadd.f32 v2, v4  }
0xb7: {  	v2 =	vshll.u32 v5, $0x5  }
0xb8: {  	v2 =	vor.u32 v0, v2;
	v3 =	vadd.f32 v4, v3;
	_ =	sdelay $0x1  }
0xb9: {  	v4 =	vor.u32 $0x1, v2;
	v3 =	vadd.f32 v3, v1;
	_ =	sdelay $0x1  }
0xba: {  	v5 =	vor.u32 $0x2, v2;
	[tilespmem:s24+$0x0] =	vst v3  }
0xbb: {  	v3 =	vld.idx.msk [tilespmem:v2+s17+$0x0], $0xffff  }
0xbc: {  	v7 =	vor.u32 $0x3, v2;
	v6 =	vld.idx.msk [tilespmem:v2+s16+$0x0], $0xffff  }
0xbd: {  	v56 =	vld.idx.msk [tilespmem:v4+s16+$0x0], $0xffff  }
0xbe: {  	v57 =	vor.u32 $0x4, v2;
	v4 =	vld.idx.msk [tilespmem:v4+s17+$0x0], $0xffff  }
0xbf: {  	v58 =	vld.idx.msk [tilespmem:v5+s16+$0x0], $0xffff  }
0xc0: {  	v59 =	vor.u32 $0x5, v2;
	v5 =	vld.idx.msk [tilespmem:v5+s17+$0x0], $0xffff  }
0xc1: {  	v60 =	vld.idx.msk [tilespmem:v7+s16+$0x0], $0xffff;
	v3 =	vmul.f32 v3, v6  }
0xc2: {  	v6 =	vld.idx.msk [tilespmem:v7+s17+$0x0], $0xffff;
	v7 =	vor.u32 $0x6, v2  }
0xc3: {  	v61 =	vld.idx.msk [tilespmem:v57+s16+$0x0], $0xffff;
	v4 =	vmul.f32 v4, v56;
	v3 =	vadd.f32 $0.0e+00, v3  }
0xc4: {  	v63 =	vor.u32 $0x7, v2;
	v62 =	vld.idx.msk [tilespmem:v57+s17+$0x0], $0xffff  }
0xc5: {  	v14 =	vld.idx.msk [tilespmem:v59+s16+$0x0], $0xffff;
	v3 =	vadd.f32 v4, v3;
	v4 =	vmul.f32 v5, v58  }
0xc6: {  	v16 =	vor.u32 $0x8, v2;
	v5 =	vld.idx.msk [tilespmem:v59+s17+$0x0], $0xffff  }
0xc7: {  	v17 =	vld.idx.msk [tilespmem:v7+s16+$0x0], $0xffff;
	v3 =	vadd.f32 v4, v3;
	v4 =	vmul.f32 v6, v60  }
0xc8: {  	v6 =	vld.idx.msk [tilespmem:v7+s17+$0x0], $0xffff;
	v7 =	vor.u32 $0x9, v2  }
0xc9: {  	v18 =	vld.idx.msk [tilespmem:v63+s16+$0x0], $0xffff;
	v3 =	vadd.f32 v4, v3;
	v4 =	vmul.f32 v62, v61  }
0xca: {  	v20 =	vor.u32 $0xA, v2;
	v19 =	vld.idx.msk [tilespmem:v63+s17+$0x0], $0xffff  }
0xcb: {  	v21 =	vld.idx.msk [tilespmem:v16+s16+$0x0], $0xffff;
	v3 =	vadd.f32 v4, v3;
	v4 =	vmul.f32 v5, v14  }
0xcc: {  	v22 =	vor.u32 $0xB, v2;
	v5 =	vld.idx.msk [tilespmem:v16+s17+$0x0], $0xffff  }
0xcd: {  	v23 =	vld.idx.msk [tilespmem:v7+s16+$0x0], $0xffff;
	v3 =	vadd.f32 v4, v3;
	v4 =	vmul.f32 v6, v17  }
0xce: {  	v6 =	vld.idx.msk [tilespmem:v7+s17+$0x0], $0xffff;
	v7 =	vor.u32 $0xC, v2  }
0xcf: {  	v24 =	vld.idx.msk [tilespmem:v20+s16+$0x0], $0xffff;
	v3 =	vadd.f32 v4, v3;
	v4 =	vmul.f32 v19, v18  }
0xd0: {  	v26 =	vor.u32 $0xD, v2;
	v25 =	vld.idx.msk [tilespmem:v20+s17+$0x0], $0xffff  }
0xd1: {  	v27 =	vld.idx.msk [tilespmem:v22+s16+$0x0], $0xffff;
	v3 =	vadd.f32 v4, v3;
	v4 =	vmul.f32 v5, v21  }
0xd2: {  	v28 =	vor.u32 $0xE, v2;
	v5 =	vld.idx.msk [tilespmem:v22+s17+$0x0], $0xffff  }
0xd3: {  	v29 =	vld.idx.msk [tilespmem:v7+s16+$0x0], $0xffff;
	v3 =	vadd.f32 v4, v3;
	v4 =	vmul.f32 v6, v23  }
0xd4: {  	v6 =	vld.idx.msk [tilespmem:v7+s17+$0x0], $0xffff;
	v7 =	vor.u32 $0xF, v2  }
0xd5: {  	v30 =	vld.idx.msk [tilespmem:v26+s16+$0x0], $0xffff;
	v3 =	vadd.f32 v4, v3;
	v4 =	vmul.f32 v25, v24  }
0xd6: {  	v32 =	vor.u32 $0x10, v2;
	v31 =	vld.idx.msk [tilespmem:v26+s17+$0x0], $0xffff  }
0xd7: {  	v33 =	vld.idx.msk [tilespmem:v28+s16+$0x0], $0xffff;
	v3 =	vadd.f32 v4, v3;
	v4 =	vmul.f32 v5, v27  }
0xd8: {  	v34 =	vor.u32 $0x11, v2;
	v5 =	vld.idx.msk [tilespmem:v28+s17+$0x0], $0xffff  }
0xd9: {  	v35 =	vld.idx.msk [tilespmem:v7+s16+$0x0], $0xffff;
	v3 =	vadd.f32 v4, v3;
	v4 =	vmul.f32 v6, v29  }
0xda: {  	v6 =	vld.idx.msk [tilespmem:v7+s17+$0x0], $0xffff;
	v7 =	vor.u32 $0x12, v2  }
0xdb: {  	v36 =	vld.idx.msk [tilespmem:v32+s16+$0x0], $0xffff;
	v3 =	vadd.f32 v4, v3;
	v4 =	vmul.f32 v31, v30  }
0xdc: {  	v38 =	vor.u32 $0x13, v2;
	v37 =	vld.idx.msk [tilespmem:v32+s17+$0x0], $0xffff  }
0xdd: {  	v39 =	vld.idx.msk [tilespmem:v34+s16+$0x0], $0xffff;
	v3 =	vadd.f32 v4, v3;
	v4 =	vmul.f32 v5, v33  }
0xde: {  	v40 =	vor.u32 $0x14, v2;
	v5 =	vld.idx.msk [tilespmem:v34+s17+$0x0], $0xffff  }
0xdf: {  	v41 =	vld.idx.msk [tilespmem:v7+s16+$0x0], $0xffff;
	v3 =	vadd.f32 v4, v3;
	v4 =	vmul.f32 v6, v35  }
0xe0: {  	v6 =	vld.idx.msk [tilespmem:v7+s17+$0x0], $0xffff;
	v7 =	vor.u32 $0x15, v2  }
0xe1: {  	v42 =	vld.idx.msk [tilespmem:v38+s16+$0x0], $0xffff;
	v3 =	vadd.f32 v4, v3;
	v4 =	vmul.f32 v37, v36  }
0xe2: {  	v44 =	vor.u32 $0x16, v2;
	v43 =	vld.idx.msk [tilespmem:v38+s17+$0x0], $0xffff  }
0xe3: {  	v45 =	vld.idx.msk [tilespmem:v40+s16+$0x0], $0xffff;
	v3 =	vadd.f32 v4, v3;
	v4 =	vmul.f32 v5, v39  }
0xe4: {  	v46 =	vor.u32 $0x17, v2;
	v5 =	vld.idx.msk [tilespmem:v40+s17+$0x0], $0xffff  }
0xe5: {  	v47 =	vld.idx.msk [tilespmem:v7+s16+$0x0], $0xffff;
	v3 =	vadd.f32 v4, v3;
	v4 =	vmul.f32 v6, v41  }
0xe6: {  	v6 =	vld.idx.msk [tilespmem:v7+s17+$0x0], $0xffff;
	v7 =	vor.u32 $0x18, v2  }
0xe7: {  	v48 =	vld.idx.msk [tilespmem:v44+s16+$0x0], $0xffff;
	v3 =	vadd.f32 v4, v3;
	v4 =	vmul.f32 v43, v42  }
0xe8: {  	v50 =	vor.u32 $0x19, v2;
	v49 =	vld.idx.msk [tilespmem:v44+s17+$0x0], $0xffff  }
0xe9: {  	v51 =	vld.idx.msk [tilespmem:v46+s16+$0x0], $0xffff;
	v3 =	vadd.f32 v4, v3;
	v4 =	vmul.f32 v5, v45  }
0xea: {  	v52 =	vor.u32 $0x1A, v2;
	v5 =	vld.idx.msk [tilespmem:v46+s17+$0x0], $0xffff  }
0xeb: {  	v53 =	vld.idx.msk [tilespmem:v7+s16+$0x0], $0xffff;
	v3 =	vadd.f32 v4, v3;
	v4 =	vmul.f32 v6, v47  }
0xec: {  	v6 =	vld.idx.msk [tilespmem:v7+s17+$0x0], $0xffff;
	v7 =	vor.u32 $0x1B, v2  }
0xed: {  	v54 =	vld.idx.msk [tilespmem:v50+s16+$0x0], $0xffff;
	v3 =	vadd.f32 v4, v3;
	v4 =	vmul.f32 v49, v48  }
0xee: {  	v55 =	vld.idx.msk [tilespmem:v50+s17+$0x0], $0xffff;
	v56 =	vor.u32 $0x1C, v2  }
0xef: {  	v57 =	vld.idx.msk [tilespmem:v52+s16+$0x0], $0xffff;
	v3 =	vadd.f32 v4, v3;
	v4 =	vmul.f32 v5, v51  }
0xf0: {  	v58 =	vor.u32 $0x1D, v2;
	v5 =	vld.idx.msk [tilespmem:v52+s17+$0x0], $0xffff  }
0xf1: {  	v59 =	vld.idx.msk [tilespmem:v7+s16+$0x0], $0xffff;
	v3 =	vadd.f32 v4, v3;
	v4 =	vmul.f32 v6, v53  }
0xf2: {  	v6 =	vld.idx.msk [tilespmem:v7+s17+$0x0], $0xffff;
	v7 =	vor.u32 $0x1E, v2  }
0xf3: {  	v60 =	vld.idx.msk [tilespmem:v56+s16+$0x0], $0xffff;
	v3 =	vadd.f32 v4, v3;
	v4 =	vmul.f32 v55, v54  }
0xf4: {  	v61 =	vld.idx.msk [tilespmem:v56+s17+$0x0], $0xffff;
	v2 =	vor.u32 $0x1F, v2  }
0xf5: {  	v62 =	vld.idx.msk [tilespmem:v58+s16+$0x0], $0xffff;
	v3 =	vadd.f32 v4, v3;
	v4 =	vmul.f32 v5, v57  }
0xf6: {  	v5 =	vld.idx.msk [tilespmem:v58+s17+$0x0], $0xffff  }
0xf7: {  	v63 =	vld.idx.msk [tilespmem:v7+s16+$0x0], $0xffff;
	v3 =	vadd.f32 v4, v3;
	v4 =	vmul.f32 v6, v59  }
0xf8: {  	v6 =	vld.idx.msk [tilespmem:v7+s17+$0x0], $0xffff  }
0xf9: {  	v7 =	vld.idx.msk [tilespmem:v2+s16+$0x0], $0xffff;
	v3 =	vadd.f32 v4, v3;
	v4 =	vmul.f32 v61, v60  }
0xfa: {  	v2 =	vld.idx.msk [tilespmem:v2+s17+$0x0], $0xffff  }
0xfb: {  	v3 =	vadd.f32 v4, v3;
	v4 =	vmul.f32 v5, v62;
	_ =	sdelay $0x1  }
0xfc: {  	v3 =	vadd.f32 v4, v3;
	v4 =	vmul.f32 v6, v63  }
0xfd: {  	s28 =	simm.s32 $0x8410  }
0xfe: {  	v5 =	vld [tilespmem:s28+$0x0];
	v2 =	vmul.f32 v2, v7;
	v3 =	vadd.f32 v4, v3  }
0xff: {  	s29 =	simm.s32 $0x8610  }
0x100: {  	v2 =	vadd.f32 v2, v3;
	v3 =	vld [tilespmem:s29+$0x0];
	_ =	sdelay $0x1  }
0x101: {  	s5 =	simm.s32 $0x20  }
0x102: {  	v6 =	vmov s5;
	v4 =	vadd.f32 v2, v5  }
0x103: {  	s31 =	simm.s32 $0x8810;
	s5 =	simm.s32 $0x30;
	v2 =	vshll.u32 v6, $0x5  }
.LBB2_2:
0x104: {  	p0 =	sne.s32 s5, $0x1F0;
	v2 =	vor.u32 v0, v2;
	v3 =	vadd.f32 v4, v3;
	_ =	sdelay $0x1  }
0x105: {  	v4 =	vor.u32 $0x1, v2;
	v3 =	vadd.f32 v3, v1  }
0x106: {  	s31 =	sadd.s32 $0x10, s31  }
0x107: {  	v5 =	vor.u32 $0x2, v2;
	[tilespmem:s31+$0x0] =	vst v3  }
0x108: {  	v3 =	vld.idx.msk [tilespmem:v2+s17+$0x0], $0xffff  }
0x109: {  	v7 =	vor.u32 $0x3, v2;
	v6 =	vld.idx.msk [tilespmem:v2+s16+$0x0], $0xffff  }
0x10a: {  	v8 =	vld.idx.msk [tilespmem:v4+s16+$0x0], $0xffff  }
0x10b: {  	v9 =	vor.u32 $0x4, v2;
	v4 =	vld.idx.msk [tilespmem:v4+s17+$0x0], $0xffff  }
0x10c: {  	v10 =	vld.idx.msk [tilespmem:v5+s16+$0x0], $0xffff  }
0x10d: {  	v11 =	vor.u32 $0x5, v2;
	v5 =	vld.idx.msk [tilespmem:v5+s17+$0x0], $0xffff  }
0x10e: {  	v12 =	vld.idx.msk [tilespmem:v7+s16+$0x0], $0xffff  }
0x10f: {  	v3 =	vmul.f32 v3, v6;
	v6 =	vld.idx.msk [tilespmem:v7+s17+$0x0], $0xffff;
	v7 =	vor.u32 $0x6, v2  }
0x110: {  	v13 =	vld.idx.msk [tilespmem:v9+s16+$0x0], $0xffff  }
0x111: {  	v3 =	vadd.f32 $0.0e+00, v3;
	v4 =	vmul.f32 v4, v8;
	v8 =	vld.idx.msk [tilespmem:v9+s17+$0x0], $0xffff;
	v9 =	vor.u32 $0x7, v2  }
0x112: {  	v14 =	vld.idx.msk [tilespmem:v11+s16+$0x0], $0xffff  }
0x113: {  	v3 =	vadd.f32 v4, v3;
	v4 =	vmul.f32 v5, v10;
	v10 =	vor.u32 $0x8, v2;
	v5 =	vld.idx.msk [tilespmem:v11+s17+$0x0], $0xffff  }
0x114: {  	v11 =	vld.idx.msk [tilespmem:v7+s16+$0x0], $0xffff  }
0x115: {  	v3 =	vadd.f32 v4, v3;
	v4 =	vmul.f32 v6, v12;
	v6 =	vld.idx.msk [tilespmem:v7+s17+$0x0], $0xffff;
	v7 =	vor.u32 $0x9, v2  }
0x116: {  	v12 =	vld.idx.msk [tilespmem:v9+s16+$0x0], $0xffff  }
0x117: {  	v3 =	vadd.f32 v4, v3;
	v4 =	vmul.f32 v8, v13;
	v8 =	vld.idx.msk [tilespmem:v9+s17+$0x0], $0xffff;
	v9 =	vor.u32 $0xA, v2  }
0x118: {  	v13 =	vld.idx.msk [tilespmem:v10+s16+$0x0], $0xffff  }
0x119: {  	v3 =	vadd.f32 v4, v3;
	v4 =	vmul.f32 v5, v14;
	v5 =	vld.idx.msk [tilespmem:v10+s17+$0x0], $0xffff;
	v10 =	vor.u32 $0xB, v2  }
0x11a: {  	v14 =	vld.idx.msk [tilespmem:v7+s16+$0x0], $0xffff  }
0x11b: {  	v3 =	vadd.f32 v4, v3;
	v4 =	vmul.f32 v6, v11;
	v6 =	vld.idx.msk [tilespmem:v7+s17+$0x0], $0xffff;
	v7 =	vor.u32 $0xC, v2  }
0x11c: {  	v11 =	vld.idx.msk [tilespmem:v9+s16+$0x0], $0xffff  }
0x11d: {  	v3 =	vadd.f32 v4, v3;
	v4 =	vmul.f32 v8, v12;
	v8 =	vld.idx.msk [tilespmem:v9+s17+$0x0], $0xffff;
	v9 =	vor.u32 $0xD, v2  }
0x11e: {  	v12 =	vld.idx.msk [tilespmem:v10+s16+$0x0], $0xffff  }
0x11f: {  	v3 =	vadd.f32 v4, v3;
	v4 =	vmul.f32 v5, v13;
	v5 =	vld.idx.msk [tilespmem:v10+s17+$0x0], $0xffff;
	v10 =	vor.u32 $0xE, v2  }
0x120: {  	v13 =	vld.idx.msk [tilespmem:v7+s16+$0x0], $0xffff  }
0x121: {  	v3 =	vadd.f32 v4, v3;
	v4 =	vmul.f32 v6, v14;
	v6 =	vld.idx.msk [tilespmem:v7+s17+$0x0], $0xffff;
	v7 =	vor.u32 $0xF, v2  }
0x122: {  	v14 =	vld.idx.msk [tilespmem:v9+s16+$0x0], $0xffff  }
0x123: {  	v3 =	vadd.f32 v4, v3;
	v4 =	vmul.f32 v8, v11;
	v8 =	vld.idx.msk [tilespmem:v9+s17+$0x0], $0xffff;
	v9 =	vor.u32 $0x10, v2  }
0x124: {  	v11 =	vld.idx.msk [tilespmem:v10+s16+$0x0], $0xffff  }
0x125: {  	v3 =	vadd.f32 v4, v3;
	v4 =	vmul.f32 v5, v12;
	v5 =	vld.idx.msk [tilespmem:v10+s17+$0x0], $0xffff;
	v10 =	vor.u32 $0x11, v2  }
0x126: {  	v12 =	vld.idx.msk [tilespmem:v7+s16+$0x0], $0xffff  }
0x127: {  	v3 =	vadd.f32 v4, v3;
	v4 =	vmul.f32 v6, v13;
	v6 =	vld.idx.msk [tilespmem:v7+s17+$0x0], $0xffff;
	v7 =	vor.u32 $0x12, v2  }
0x128: {  	v13 =	vld.idx.msk [tilespmem:v9+s16+$0x0], $0xffff  }
0x129: {  	v3 =	vadd.f32 v4, v3;
	v4 =	vmul.f32 v8, v14;
	v8 =	vld.idx.msk [tilespmem:v9+s17+$0x0], $0xffff;
	v9 =	vor.u32 $0x13, v2  }
0x12a: {  	v14 =	vld.idx.msk [tilespmem:v10+s16+$0x0], $0xffff  }
0x12b: {  	v3 =	vadd.f32 v4, v3;
	v4 =	vmul.f32 v5, v11;
	v5 =	vld.idx.msk [tilespmem:v10+s17+$0x0], $0xffff;
	v10 =	vor.u32 $0x14, v2  }
0x12c: {  	v11 =	vld.idx.msk [tilespmem:v7+s16+$0x0], $0xffff  }
0x12d: {  	v3 =	vadd.f32 v4, v3;
	v4 =	vmul.f32 v6, v12;
	v6 =	vld.idx.msk [tilespmem:v7+s17+$0x0], $0xffff;
	v7 =	vor.u32 $0x15, v2  }
0x12e: {  	v12 =	vld.idx.msk [tilespmem:v9+s16+$0x0], $0xffff  }
0x12f: {  	v3 =	vadd.f32 v4, v3;
	v4 =	vmul.f32 v8, v13;
	v8 =	vld.idx.msk [tilespmem:v9+s17+$0x0], $0xffff;
	v9 =	vor.u32 $0x16, v2  }
0x130: {  	v13 =	vld.idx.msk [tilespmem:v10+s16+$0x0], $0xffff  }
0x131: {  	v3 =	vadd.f32 v4, v3;
	v4 =	vmul.f32 v5, v14;
	v5 =	vld.idx.msk [tilespmem:v10+s17+$0x0], $0xffff;
	v10 =	vor.u32 $0x17, v2  }
0x132: {  	v14 =	vld.idx.msk [tilespmem:v7+s16+$0x0], $0xffff  }
0x133: {  	v3 =	vadd.f32 v4, v3;
	v4 =	vmul.f32 v6, v11;
	v6 =	vld.idx.msk [tilespmem:v7+s17+$0x0], $0xffff;
	v7 =	vor.u32 $0x18, v2  }
0x134: {  	v11 =	vld.idx.msk [tilespmem:v9+s16+$0x0], $0xffff  }
0x135: {  	v3 =	vadd.f32 v4, v3;
	v4 =	vmul.f32 v8, v12;
	v8 =	vld.idx.msk [tilespmem:v9+s17+$0x0], $0xffff;
	v9 =	vor.u32 $0x19, v2  }
0x136: {  	v12 =	vld.idx.msk [tilespmem:v10+s16+$0x0], $0xffff  }
0x137: {  	v3 =	vadd.f32 v4, v3;
	v4 =	vmul.f32 v5, v13;
	v5 =	vld.idx.msk [tilespmem:v10+s17+$0x0], $0xffff;
	v10 =	vor.u32 $0x1A, v2  }
0x138: {  	v13 =	vld.idx.msk [tilespmem:v7+s16+$0x0], $0xffff  }
0x139: {  	v3 =	vadd.f32 v4, v3;
	v4 =	vmul.f32 v6, v14;
	v6 =	vld.idx.msk [tilespmem:v7+s17+$0x0], $0xffff;
	v7 =	vor.u32 $0x1B, v2  }
0x13a: {  	v14 =	vld.idx.msk [tilespmem:v9+s16+$0x0], $0xffff  }
0x13b: {  	v3 =	vadd.f32 v4, v3;
	v4 =	vmul.f32 v8, v11;
	v8 =	vld.idx.msk [tilespmem:v9+s17+$0x0], $0xffff;
	v9 =	vor.u32 $0x1C, v2  }
0x13c: {  	v11 =	vld.idx.msk [tilespmem:v10+s16+$0x0], $0xffff  }
0x13d: {  	v3 =	vadd.f32 v4, v3;
	v4 =	vmul.f32 v5, v12;
	v5 =	vld.idx.msk [tilespmem:v10+s17+$0x0], $0xffff;
	v10 =	vor.u32 $0x1D, v2  }
0x13e: {  	v12 =	vld.idx.msk [tilespmem:v7+s16+$0x0], $0xffff  }
0x13f: {  	v3 =	vadd.f32 v4, v3;
	v4 =	vmul.f32 v6, v13;
	v6 =	vld.idx.msk [tilespmem:v7+s17+$0x0], $0xffff;
	v7 =	vor.u32 $0x1E, v2  }
0x140: {  	v13 =	vld.idx.msk [tilespmem:v9+s16+$0x0], $0xffff  }
0x141: {  	v2 =	vor.u32 $0x1F, v2;
	v3 =	vadd.f32 v4, v3;
	v4 =	vmul.f32 v8, v14;
	v8 =	vld.idx.msk [tilespmem:v9+s17+$0x0], $0xffff  }
0x142: {  	v9 =	vld.idx.msk [tilespmem:v10+s16+$0x0], $0xffff  }
0x143: {  	v3 =	vadd.f32 v4, v3;
	v4 =	vmul.f32 v5, v11;
	v5 =	vld.idx.msk [tilespmem:v10+s17+$0x0], $0xffff  }
0x144: {  	v10 =	vld.idx.msk [tilespmem:v7+s16+$0x0], $0xffff  }
0x145: {  	v3 =	vadd.f32 v4, v3;
	v4 =	vmul.f32 v6, v12;
	v6 =	vld.idx.msk [tilespmem:v7+s17+$0x0], $0xffff  }
0x146: {  	v7 =	vld.idx.msk [tilespmem:v2+s16+$0x0], $0xffff  }
0x147: {  	v3 =	vadd.f32 v4, v3;
	v4 =	vmul.f32 v8, v13;
	v2 =	vld.idx.msk [tilespmem:v2+s17+$0x0], $0xffff;
	_ =	sdelay $0x1  }
0x148: {  	v3 =	vadd.f32 v4, v3;
	v4 =	vmul.f32 v5, v9;
	_ =	sdelay $0x1  }
0x149: {  	s28 =	sadd.s32 $0x10, s28;
	v3 =	vadd.f32 v4, v3;
	v4 =	vmul.f32 v6, v10  }
0x14a: {  	v5 =	vld [tilespmem:s28+$0x0]  }
0x14b: {  	s29 =	sadd.s32 $0x10, s29;
	v4 =	vadd.f32 v4, v3;
	v2 =	vmul.f32 v2, v7  }
.Ltmp0:
0x14c: {  	v3 =	vld [tilespmem:s29+$0x0];
	(pc) =	sbr.rel @p0 .LBB2_2-.Ltmp0, $3  }
0x14d: {  	v2 =	vadd.f32 v2, v4;
	_ =	sdelay $0x1  }
0x14e: {  	v6 =	vmov s5;
	v4 =	vadd.f32 v2, v5  }
0x14f: {  	s5 =	sadd.s32 $0x10, s5;
	v2 =	vshll.u32 v6, $0x5  }
0x150: {  	v2 =	vor.u32 v0, v2;
	v3 =	vadd.f32 v4, v3;
	_ =	sdelay $0x1  }
0x151: {  	v49 =	vor.u32 $0x1, v2;
	v3 =	vadd.f32 v3, v1  }
0x152: {  	s5 =	sadd.s32 $0x10, s31  }
0x153: {  	v5 =	vor.u32 $0x2, v2;
	[tilespmem:s5+$0x0] =	vst v3  }
0x154: {  	v3 =	vld.idx.msk [tilespmem:v2+s17+$0x0], $0xffff  }
0x155: {  	v7 =	vor.u32 $0x3, v2;
	v6 =	vld.idx.msk [tilespmem:v2+s16+$0x0], $0xffff  }
0x156: {  	v8 =	vld.idx.msk [tilespmem:v49+s16+$0x0], $0xffff  }
0x157: {  	v9 =	vor.u32 $0x4, v2;
	v4 =	vld.idx.msk [tilespmem:v49+s17+$0x0], $0xffff  }
0x158: {  	v10 =	vld.idx.msk [tilespmem:v5+s16+$0x0], $0xffff  }
0x159: {  	v11 =	vor.u32 $0x5, v2;
	v5 =	vld.idx.msk [tilespmem:v5+s17+$0x0], $0xffff  }
0x15a: {  	v12 =	vld.idx.msk [tilespmem:v7+s16+$0x0], $0xffff;
	v3 =	vmul.f32 v3, v6  }
0x15b: {  	v51 =	vor.u32 $0x6, v2;
	v50 =	vld.idx.msk [tilespmem:v7+s17+$0x0], $0xffff  }
0x15c: {  	v13 =	vld.idx.msk [tilespmem:v9+s16+$0x0], $0xffff;
	v4 =	vmul.f32 v4, v8;
	v3 =	vadd.f32 $0.0e+00, v3  }
0x15d: {  	v53 =	vor.u32 $0x7, v2;
	v52 =	vld.idx.msk [tilespmem:v9+s17+$0x0], $0xffff  }
0x15e: {  	v14 =	vld.idx.msk [tilespmem:v11+s16+$0x0], $0xffff;
	v54 =	vmul.f32 v5, v10;
	v3 =	vadd.f32 v4, v3  }
0x15f: {  	v56 =	vor.u32 $0x8, v2;
	v55 =	vld.idx.msk [tilespmem:v11+s17+$0x0], $0xffff  }
0x160: {  	v57 =	vld.idx.msk [tilespmem:v51+s16+$0x0], $0xffff;
	v58 =	vmul.f32 v50, v12;
	v3 =	vadd.f32 v54, v3  }
0x161: {  	v60 =	vor.u32 $0x9, v2;
	v59 =	vld.idx.msk [tilespmem:v51+s17+$0x0], $0xffff  }
0x162: {  	v61 =	vld.idx.msk [tilespmem:v53+s16+$0x0], $0xffff;
	v62 =	vmul.f32 v52, v13;
	v3 =	vadd.f32 v58, v3  }
0x163: {  	v16 =	vor.u32 $0xA, v2;
	v63 =	vld.idx.msk [tilespmem:v53+s17+$0x0], $0xffff  }
0x164: {  	v17 =	vld.idx.msk [tilespmem:v56+s16+$0x0], $0xffff;
	v18 =	vmul.f32 v55, v14;
	v3 =	vadd.f32 v62, v3  }
0x165: {  	v20 =	vor.u32 $0xB, v2;
	v19 =	vld.idx.msk [tilespmem:v56+s17+$0x0], $0xffff  }
0x166: {  	v21 =	vld.idx.msk [tilespmem:v60+s16+$0x0], $0xffff;
	v22 =	vmul.f32 v59, v57;
	v3 =	vadd.f32 v18, v3  }
0x167: {  	v24 =	vor.u32 $0xC, v2;
	v23 =	vld.idx.msk [tilespmem:v60+s17+$0x0], $0xffff  }
0x168: {  	v25 =	vld.idx.msk [tilespmem:v16+s16+$0x0], $0xffff;
	v26 =	vmul.f32 v63, v61;
	v3 =	vadd.f32 v22, v3  }
0x169: {  	v28 =	vor.u32 $0xD, v2;
	v27 =	vld.idx.msk [tilespmem:v16+s17+$0x0], $0xffff  }
0x16a: {  	v29 =	vld.idx.msk [tilespmem:v20+s16+$0x0], $0xffff;
	v30 =	vmul.f32 v19, v17;
	v3 =	vadd.f32 v26, v3  }
0x16b: {  	v32 =	vor.u32 $0xE, v2;
	v31 =	vld.idx.msk [tilespmem:v20+s17+$0x0], $0xffff  }
0x16c: {  	v33 =	vld.idx.msk [tilespmem:v24+s16+$0x0], $0xffff;
	v34 =	vmul.f32 v23, v21;
	v3 =	vadd.f32 v30, v3  }
0x16d: {  	v36 =	vor.u32 $0xF, v2;
	v35 =	vld.idx.msk [tilespmem:v24+s17+$0x0], $0xffff  }
0x16e: {  	v37 =	vld.idx.msk [tilespmem:v28+s16+$0x0], $0xffff;
	v38 =	vmul.f32 v27, v25;
	v3 =	vadd.f32 v34, v3  }
0x16f: {  	v40 =	vor.u32 $0x10, v2;
	v39 =	vld.idx.msk [tilespmem:v28+s17+$0x0], $0xffff  }
0x170: {  	v41 =	vld.idx.msk [tilespmem:v32+s16+$0x0], $0xffff;
	v42 =	vmul.f32 v31, v29;
	v3 =	vadd.f32 v38, v3  }
0x171: {  	v44 =	vor.u32 $0x11, v2;
	v43 =	vld.idx.msk [tilespmem:v32+s17+$0x0], $0xffff  }
0x172: {  	v45 =	vld.idx.msk [tilespmem:v36+s16+$0x0], $0xffff;
	v46 =	vmul.f32 v35, v33;
	v3 =	vadd.f32 v42, v3  }
0x173: {  	v48 =	vor.u32 $0x12, v2;
	v47 =	vld.idx.msk [tilespmem:v36+s17+$0x0], $0xffff  }
0x174: {  	v49 =	vld.idx.msk [tilespmem:v40+s16+$0x0], $0xffff;
	v50 =	vmul.f32 v39, v37;
	v3 =	vadd.f32 v46, v3  }
0x175: {  	v51 =	vld.idx.msk [tilespmem:v40+s17+$0x0], $0xffff;
	v52 =	vor.u32 $0x13, v2  }
0x176: {  	v53 =	vld.idx.msk [tilespmem:v44+s16+$0x0], $0xffff;
	v54 =	vmul.f32 v43, v41;
	v3 =	vadd.f32 v50, v3  }
0x177: {  	v56 =	vor.u32 $0x14, v2;
	v55 =	vld.idx.msk [tilespmem:v44+s17+$0x0], $0xffff  }
0x178: {  	v57 =	vld.idx.msk [tilespmem:v48+s16+$0x0], $0xffff;
	v58 =	vmul.f32 v47, v45;
	v3 =	vadd.f32 v54, v3  }
0x179: {  	v60 =	vor.u32 $0x15, v2;
	v59 =	vld.idx.msk [tilespmem:v48+s17+$0x0], $0xffff  }
0x17a: {  	v61 =	vld.idx.msk [tilespmem:v52+s16+$0x0], $0xffff;
	v62 =	vmul.f32 v51, v49;
	v3 =	vadd.f32 v58, v3  }
0x17b: {  	v16 =	vor.u32 $0x16, v2;
	v63 =	vld.idx.msk [tilespmem:v52+s17+$0x0], $0xffff  }
0x17c: {  	v17 =	vld.idx.msk [tilespmem:v56+s16+$0x0], $0xffff;
	v18 =	vmul.f32 v55, v53;
	v3 =	vadd.f32 v62, v3  }
0x17d: {  	v20 =	vor.u32 $0x17, v2;
	v19 =	vld.idx.msk [tilespmem:v56+s17+$0x0], $0xffff  }
0x17e: {  	v21 =	vld.idx.msk [tilespmem:v60+s16+$0x0], $0xffff;
	v22 =	vmul.f32 v59, v57;
	v3 =	vadd.f32 v18, v3  }
0x17f: {  	v24 =	vor.u32 $0x18, v2;
	v23 =	vld.idx.msk [tilespmem:v60+s17+$0x0], $0xffff  }
0x180: {  	v25 =	vld.idx.msk [tilespmem:v16+s16+$0x0], $0xffff;
	v26 =	vmul.f32 v63, v61;
	v3 =	vadd.f32 v22, v3  }
0x181: {  	v28 =	vor.u32 $0x19, v2;
	v27 =	vld.idx.msk [tilespmem:v16+s17+$0x0], $0xffff  }
0x182: {  	v29 =	vld.idx.msk [tilespmem:v20+s16+$0x0], $0xffff;
	v30 =	vmul.f32 v19, v17;
	v3 =	vadd.f32 v26, v3  }
0x183: {  	v32 =	vor.u32 $0x1A, v2;
	v31 =	vld.idx.msk [tilespmem:v20+s17+$0x0], $0xffff  }
0x184: {  	v33 =	vld.idx.msk [tilespmem:v24+s16+$0x0], $0xffff;
	v34 =	vmul.f32 v23, v21;
	v3 =	vadd.f32 v30, v3  }
0x185: {  	v36 =	vor.u32 $0x1B, v2;
	v35 =	vld.idx.msk [tilespmem:v24+s17+$0x0], $0xffff  }
0x186: {  	v37 =	vld.idx.msk [tilespmem:v28+s16+$0x0], $0xffff;
	v38 =	vmul.f32 v27, v25;
	v3 =	vadd.f32 v34, v3  }
0x187: {  	v40 =	vor.u32 $0x1C, v2;
	v39 =	vld.idx.msk [tilespmem:v28+s17+$0x0], $0xffff  }
0x188: {  	v41 =	vld.idx.msk [tilespmem:v32+s16+$0x0], $0xffff;
	v42 =	vmul.f32 v31, v29;
	v3 =	vadd.f32 v38, v3  }
0x189: {  	v44 =	vor.u32 $0x1D, v2;
	v43 =	vld.idx.msk [tilespmem:v32+s17+$0x0], $0xffff  }
0x18a: {  	v45 =	vld.idx.msk [tilespmem:v36+s16+$0x0], $0xffff;
	v46 =	vmul.f32 v35, v33;
	v3 =	vadd.f32 v42, v3  }
0x18b: {  	v48 =	vor.u32 $0x1E, v2;
	v47 =	vld.idx.msk [tilespmem:v36+s17+$0x0], $0xffff  }
0x18c: {  	v49 =	vld.idx.msk [tilespmem:v40+s16+$0x0], $0xffff;
	v50 =	vmul.f32 v39, v37;
	v3 =	vadd.f32 v46, v3  }
0x18d: {  	v2 =	vor.u32 $0x1F, v2;
	v51 =	vld.idx.msk [tilespmem:v40+s17+$0x0], $0xffff  }
0x18e: {  	v52 =	vld.idx.msk [tilespmem:v44+s16+$0x0], $0xffff;
	v53 =	vmul.f32 v43, v41;
	v3 =	vadd.f32 v50, v3  }
0x18f: {  	v54 =	vld.idx.msk [tilespmem:v44+s17+$0x0], $0xffff  }
0x190: {  	v55 =	vld.idx.msk [tilespmem:v48+s16+$0x0], $0xffff;
	v56 =	vmul.f32 v47, v45;
	v3 =	vadd.f32 v53, v3  }
0x191: {  	v57 =	vld.idx.msk [tilespmem:v48+s17+$0x0], $0xffff  }
0x192: {  	v59 =	vmul.f32 v51, v49;
	v58 =	vld.idx.msk [tilespmem:v2+s16+$0x0], $0xffff;
	v3 =	vadd.f32 v56, v3  }
0x193: {  	v2 =	vld.idx.msk [tilespmem:v2+s17+$0x0], $0xffff  }
0x194: {  	v60 =	vmul.f32 v54, v52;
	v3 =	vadd.f32 v59, v3;
	_ =	sdelay $0x1  }
0x195: {  	s28 =	sadd.s32 $0x10, s28;
	v61 =	vmul.f32 v57, v55;
	v3 =	vadd.f32 v60, v3  }
0x196: {  	v62 =	vld [tilespmem:s28+$0x0]  }
0x197: {  	s31 =	sadd.s32 $0x10, s29;
	v2 =	vmul.f32 v2, v58;
	v3 =	vadd.f32 v61, v3  }
0x198: {  	v63 =	vld [tilespmem:s31+$0x0]  }
0x199: {  	v2 =	vadd.f32 v2, v3;
	_ =	sdelay $0x1  }
0x19a: {  	v2 =	vadd.f32 v2, v62;
	_ =	sdelay $0x1  }
0x19b: {  	v2 =	vadd.f32 v2, v63;
	_ =	sdelay $0x1  }
0x19c: {  	s26 =	sadd.s32 $0x1, s26;
	v1 =	vadd.f32 v2, v1  }
0x19d: {  	p0 =	sne.s32 s26, s11;
	s5 =	sadd.s32 $0x10, s5  }
.Ltmp1:
0x19e: {  	[tilespmem:s5+$0x0] =	vst v1;
	(pc) =	sbr.rel @p0 .LBB2_1-.Ltmp1, $4  }
0x19f: {  	[hbm4b:s10+s4] =	stream.linear.scatter [tilespmem:s24], [sflag:$0x5], $0x200, $0x38;
	[tilespmem:$0x8A10] =	vst v63  }
0x1a0: {  	_ =	swait.ge [sflag:s12], $0x200  }
0x1a1: {  	[sflag:s12] =	ssyncset.done $0x0  }
0x1a2: {  	[sflag:s12] =	ssyncadd.s32 $0xFFFFFE00  }
0x1a3: {  	_ =	sfence.sel $0x180000  }
0x1a4: {  	[bflag:$0x0] =	sbarrier.arrive $0xFFFF  }
0x1a5: {  	_ =	strace $0x90000047  }
0x1a6: {  	s0 =	stileid.u32;
	[bflag:$0x2] =	sbarrier.arrive $0xFFFF  }
0x1a7: {  	p0 =	sne.s32 s0, $0x0;
	s0 =	rddreg [dreg:$0x7]  }
0x1a8: {  	s0 =	sadd.s32 @!p0 $0x100000, s0  }
0x1a9: {  	[sflag:s0] =	ssyncadd.tile.s32 @!p0 $0x1;
	_ =	shalt  }
.Lfunc_end2:
_tile_overlayer_lowered:
.L_overlay_start_2:
0x1aa: {  	(tag) =	ssettag $0x2  }
0x1ab: {  	s0 =	rddreg [dreg:$0x0];
	s2 =	stileid.u32  }
0x1ac: {  	s1 =	rddreg [dreg:$0x1];
	p0 =	sne.s32 s2, $0x0  }
0x1ad: {  	s3 =	rddreg [dreg:$0x2];
	[bflag:$0x3] =	sbarrier.arrive $0xFFFF;
	s2 =	simm.s32 @!p0 $0x1C05  }
0x1ae: {  	[timem:s3], [sflag:s2] =	dma.local @!p0 [hbm:s0], s1  }
0x1af: {  	s0 =	simm.s32 @!p0 $0x5  }
0x1b0: {  	_ =	swait.ge @!p0 [sflag:s0], s1  }
0x1b1: {  	s1 =	ssub.s32 @!p0 $0x0, s1;
	[sflag:s0] =	ssyncset.done @!p0 $0x0  }
0x1b2: {  	[sflag:s0] =	ssyncadd.s32 @!p0 s1  }
0x1b3: {  	[bflag:$0x3] =	sbarrier.arrive $0xFFFF  }
0x1b4: {  	_ =	shalt  }

</sc_bundles>
